<compile_context>
chip_gen: v7x
topology: tpu7x:2x2x1
jax: 0.10.2.dev20260603
libtpu: 0.0.44.dev20260713+nightly
codegen_flags: <defaults>
</compile_context>

<pallas_src>
import functools

import jax
import jax.numpy as jnp
from jax import lax
from jax.experimental import pallas as pl
from jax.experimental.pallas import tpu as pltpu
from jax.experimental.pallas import tpu_sc as plsc

NH = 8
HD = 128
K = 64
SBLK = 1024
LANES = 16


def _gate_kernel(hs_ref, wg_ref, o_ref):
    o_ref[0] = jax.lax.dot_general(
        wg_ref[...], hs_ref[0], (((1,), (1,)), ((), ())),
        preferred_element_type=jnp.float32)


def _topk_sc_kernel(gates_hbm, hs2_hbm, part_hbm, gath_hbm, g_v, bmax_v,
                    b2max_v, idx_v, maskl_v, rows_a, rows_b, semr_a, semr_b,
                    semw_a, semw_b):
    s = gates_hbm.shape[2]
    nb = s // LANES
    c = lax.axis_index("c")
    sid = lax.axis_index("s")
    b = c * 2 + sid // NH
    h = sid % NH
    iota = lax.iota(jnp.int32, LANES)
    zeros = jnp.zeros((LANES,), jnp.float32)
    lane0 = iota == 0

    def store1(ref, pos, val):
        plsc.store_scatter(ref, [jnp.full((LANES,), pos, jnp.int32)],
                           jnp.full((LANES,), val), mask=lane0)

    def zero_body(j, _):
        maskl_v[pl.ds(j * LANES, LANES)] = zeros
        return 0
    lax.fori_loop(0, nb, zero_body, 0)

    pltpu.sync_copy(gates_hbm.at[b, h], g_v)

    def bmax_body(j, _):
        store1(bmax_v, j, jnp.max(g_v[pl.ds(j * LANES, LANES)]))
        return 0
    lax.fori_loop(0, nb, bmax_body, 0)

    def b2max_body(t, _):
        store1(b2max_v, t, jnp.max(bmax_v[pl.ds(t * LANES, LANES)]))
        return 0
    lax.fori_loop(0, nb // LANES, b2max_body, 0)

    def extract_body(i, _):
        bv2 = b2max_v[pl.ds(0, LANES)]
        m = jnp.max(bv2)
        t_star = jnp.min(jnp.where(bv2 == m, iota, LANES))
        bmv = bmax_v[pl.ds(t_star * LANES, LANES)]
        lane_b = jnp.min(jnp.where(bmv == m, iota, LANES))
        bb = t_star * LANES + lane_b
        v = g_v[pl.ds(bb * LANES, LANES)]
        lane = jnp.min(jnp.where(v == m, iota, LANES))
        gidx = bb * LANES + lane
        store1(idx_v, i, gidx)
        store1(maskl_v, gidx, 1.0)
        v2 = jnp.where(iota == lane, -jnp.inf, v)
        g_v[pl.ds(bb * LANES, LANES)] = v2
        nbm = jnp.max(v2)
        store1(bmax_v, bb, nbm)
        store1(b2max_v, t_star, jnp.max(jnp.where(iota == lane_b, nbm, bmv)))
        return 0
    ch = K // 4
    bufs = [rows_a, rows_b]
    semr = [semr_a, semr_b]
    semw = [semw_a, semw_b]
    rd = {}
    wr = {}
    for r in range(4):
        lax.fori_loop(r * ch, (r + 1) * ch, extract_body, 0)
        if r >= 2:
            wr[r - 2].wait()
        gv = idx_v[pl.ds(r * ch, ch)] + b * s
        rd[r] = pltpu.async_copy(hs2_hbm.at[gv], bufs[r % 2], semr[r % 2])
        if r >= 1:
            rd[r - 1].wait()
            wr[r - 1] = pltpu.async_copy(
                bufs[(r - 1) % 2],
                gath_hbm.at[b, h, pl.ds((r - 1) * ch, ch)],
                semw[(r - 1) % 2])
    pltpu.sync_copy(maskl_v, part_hbm.at[b, h])
    rd[3].wait()
    wr[3] = pltpu.async_copy(
        bufs[3 % 2], gath_hbm.at[b, h, pl.ds(3 * ch, ch)], semw[3 % 2])
    wr[2].wait()
    wr[3].wait()


def _proj_kernel(g_ref, wp_ref, part_ref, o_ref, mask_ref):
    o_ref[0] = jax.lax.dot_general(
        g_ref[0, 0], wp_ref[0], (((1,), (1,)), ((), ())),
        preferred_element_type=jnp.float32)
    mask_ref[0] = jnp.max(part_ref[0], axis=0, keepdims=True)


def kernel(hidden_states, W_proj, W_gate):
    b, s, hidden = hidden_states.shape

    gates = pl.pallas_call(
        _gate_kernel,
        grid=(b, s // SBLK),
        in_specs=[
            pl.BlockSpec((1, SBLK, hidden), lambda i, j: (i, j, 0)),
            pl.BlockSpec((NH, hidden), lambda i, j: (0, 0)),
        ],
        out_specs=pl.BlockSpec((1, NH, SBLK), lambda i, j: (i, 0, j)),
        out_shape=jax.ShapeDtypeStruct((b, NH, s), jnp.float32),
    )(hidden_states, W_gate)

    part, gath = pl.kernel(
        _topk_sc_kernel,
        out_type=[
            jax.ShapeDtypeStruct((b, NH, s), jnp.float32),
            jax.ShapeDtypeStruct((b, NH, K, hidden), jnp.float32),
        ],
        mesh=plsc.VectorSubcoreMesh(core_axis_name="c", subcore_axis_name="s"),
        compiler_params=pltpu.CompilerParams(needs_layout_passes=False),
        scratch_types=[
            pltpu.VMEM((s,), jnp.float32),
            pltpu.VMEM((s // LANES,), jnp.float32),
            pltpu.VMEM((LANES,), jnp.float32),
            pltpu.VMEM((K,), jnp.int32),
            pltpu.VMEM((s,), jnp.float32),
            pltpu.VMEM((K // 4, hidden), jnp.float32),
            pltpu.VMEM((K // 4, hidden), jnp.float32),
            pltpu.SemaphoreType.DMA,
            pltpu.SemaphoreType.DMA,
            pltpu.SemaphoreType.DMA,
            pltpu.SemaphoreType.DMA,
        ],
    )(gates, hidden_states.reshape(b * s, hidden))

    wp3 = W_proj.reshape(NH, HD, hidden)
    out_states, maskf = pl.pallas_call(
        _proj_kernel,
        grid=(NH, b),
        in_specs=[
            pl.BlockSpec((1, 1, K, hidden), lambda j, i: (i, j, 0, 0)),
            pl.BlockSpec((1, HD, hidden), lambda j, i: (j, 0, 0)),
            pl.BlockSpec((1, NH, s), lambda j, i: (i, 0, 0)),
        ],
        out_specs=[
            pl.BlockSpec((1, K, HD), lambda j, i: (i, j, 0)),
            pl.BlockSpec((1, 1, s), lambda j, i: (i, 0, 0)),
        ],
        out_shape=[
            jax.ShapeDtypeStruct((b, NH * K, HD), jnp.float32),
            jax.ShapeDtypeStruct((b, 1, s), jnp.float32),
        ],
    )(gath, wp3, part)

    return out_states, maskf.reshape(b, s).astype(bool)

# --- scband reference (transcript-rebuilt; emitter-appended) ---
"""Pipeline reference for scband-lightning-indexer-nsa-13262859010625 (READ-ONLY COPY).

The authoritative reference and input builder live on the scoring server;
editing this copy changes nothing except your own understanding.
"""

import jax, jax.numpy as jnp
import numpy as np

HIDDEN = 2048
NH = 8
HD = 128
TOPK = 64
B = 4
S = 4096


def setup_inputs(seed: int = 0) -> dict:
    key = jax.random.key(seed)
    k1, k2, k3 = jax.random.split(key, 3)
    hidden_states = jax.random.normal(k1, (B, S, HIDDEN), dtype=jnp.float32)
    # nn.Linear weights: [out_features, in_features]
    W_proj = jax.random.normal(k2, (NH * HD, HIDDEN), dtype=jnp.float32) * 0.02
    W_gate = jax.random.normal(k3, (NH, HIDDEN), dtype=jnp.float32) * 0.02
    return {"hidden_states": hidden_states, "W_proj": W_proj, "W_gate": W_gate}


def reference(hidden_states, W_proj, W_gate):
    batch_size, seq_len, _ = hidden_states.shape
    k = min(TOPK, seq_len)
    # index_proj: Linear without bias
    index_states = hidden_states @ W_proj.T  # [B, S, NH*HD]
    index_states = index_states.reshape(batch_size, seq_len, NH, HD)
    # index_gate: Linear without bias
    gate_scores = hidden_states @ W_gate.T  # [B, S, NH]
    batch_indices = jnp.arange(batch_size)[:, None]  # [B, 1]
    index_states_list = []
    index_mask_list = []
    for head_idx in range(NH):
        head_gate = gate_scores[:, :, head_idx]  # [B, S]
        head_index_states = index_states[:, :, head_idx, :]  # [B, S, HD]
        topk_values, topk_indices = jax.lax.top_k(head_gate, k)  # [B, k]
        selected_states = jnp.take_along_axis(
            head_index_states, topk_indices[:, :, None], axis=1
        )  # [B, k, HD]
        head_mask = jnp.zeros((batch_size, seq_len), dtype=jnp.float32)
        head_mask = head_mask.at[batch_indices, topk_indices].set(1.0)
        index_states_list.append(selected_states)
        index_mask_list.append(head_mask)
    out_states = jnp.stack(index_states_list, axis=1)  # [B, NH, k, HD]
    out_states = out_states.reshape(batch_size, NH * k, HD)
    index_mask = jnp.stack(index_mask_list, axis=1)  # [B, NH, S]
    index_mask = jnp.any(index_mask.astype(bool), axis=1)  # [B, S]
    return (out_states, index_mask)

if __name__ == "__main__":
    import jax
    _d = setup_inputs()
    print(jax.jit(kernel)(*tuple(_d.values())))

</pallas_src>

<mosaic_0001>
#map = affine_map<(d0, d1) -> (0, 0, 0)>
#map1 = affine_map<(d0, d1) -> (0, 0)>
#map2 = affine_map<(d0, d1) -> (0, 0, 0, 0)>
module attributes {stable_mosaic.version = 14 : i64} {
  func.func @_topk_sc_kernel(%arg0: i32, %arg1: i32, %arg2: memref<4x8x4096xf32, #tpu.memory_space<hbm>>, %arg3: memref<16384x2048xf32, #tpu.memory_space<hbm>>, %arg4: memref<4x8x4096xf32, #tpu.memory_space<hbm>>, %arg5: memref<4x8x64x2048xf32, #tpu.memory_space<hbm>>, %arg6: memref<4096xf32, #tpu.memory_space<vmem>>, %arg7: memref<256xf32, #tpu.memory_space<vmem>>, %arg8: memref<16xf32, #tpu.memory_space<vmem>>, %arg9: memref<64xi32, #tpu.memory_space<vmem>>, %arg10: memref<4096xf32, #tpu.memory_space<vmem>>, %arg11: memref<16x2048xf32, #tpu.memory_space<vmem>>, %arg12: memref<16x2048xf32, #tpu.memory_space<vmem>>, %arg13: memref<!tpu.dma_semaphore, #tpu.memory_space<semaphore_mem>>, %arg14: memref<!tpu.dma_semaphore, #tpu.memory_space<semaphore_mem>>, %arg15: memref<!tpu.dma_semaphore, #tpu.memory_space<semaphore_mem>>, %arg16: memref<!tpu.dma_semaphore, #tpu.memory_space<semaphore_mem>>) attributes {dimension_semantics = [#tpu.dimension_semantics<core_parallel>, #tpu.dimension_semantics<subcore_parallel>], iteration_bounds = array<i64: 2, 16>, scalar_prefetch = 0 : i64, scratch_operands = 11 : i64, tpu.core_type = #tpu.core_type<sc_vector_subcore>, window_params = [{transform_indices = #map}, {transform_indices = #map1}, {transform_indices = #map}, {transform_indices = #map2}]} {
    %mul3A = arith.constant 2 : i32
    %mul3A_0 = arith.muli %arg0, %mul3A : i32
    %jit3A = arith.constant 8 : i32
    %div3A = arith.divsi %arg1, %jit3A : i32
    %sign3A = arith.constant 0 : i32
    %sign3A_1 = arith.cmpi sgt, %arg1, %sign3A : i32
    %sign3A_2 = arith.extui %sign3A_1 : i1 to i32
    %sign3A_3 = arith.constant 0 : i32
    %sign3A_4 = arith.cmpi slt, %arg1, %sign3A_3 : i32
    %sign3A_5 = arith.extui %sign3A_4 : i1 to i32
    %sign3A_6 = arith.subi %sign3A_2, %sign3A_5 : i32
    %sign3A_7 = arith.constant 0 : i32
    %sign3A_8 = arith.cmpi sgt, %jit3A, %sign3A_7 : i32
    %sign3A_9 = arith.extui %sign3A_8 : i1 to i32
    %sign3A_10 = arith.constant 0 : i32
    %sign3A_11 = arith.cmpi slt, %jit3A, %sign3A_10 : i32
    %sign3A_12 = arith.extui %sign3A_11 : i1 to i32
    %sign3A_13 = arith.subi %sign3A_9, %sign3A_12 : i32
    %ne3A = arith.cmpi ne, %sign3A_6, %sign3A_13 : i32
    %rem3A = arith.remsi %arg1, %jit3A : i32
    %ne3A_14 = arith.constant 0 : i32
    %ne3A_15 = arith.cmpi ne, %rem3A, %ne3A_14 : i32
    %and3A = arith.andi %ne3A, %ne3A_15 : i1
    %sub3A = arith.constant 1 : i32
    %sub3A_16 = arith.subi %div3A, %sub3A : i32
    %select_n3A = arith.select %and3A, %sub3A_16, %div3A : i32
    %add3A = arith.addi %mul3A_0, %select_n3A : i32
    %jit3A_17 = arith.constant 8 : i32
    %eq3A = arith.constant 0 : i32
    %eq3A_18 = arith.cmpi eq, %jit3A_17, %eq3A : i32
    %jit3A_19 = arith.constant 1 : i32
    %select_n3A_20 = arith.select %eq3A_18, %jit3A_19, %jit3A_17 : i32
    %rem3A_21 = arith.remsi %arg1, %select_n3A_20 : i32
    %ne3A_22 = arith.constant 0 : i32
    %ne3A_23 = arith.cmpi ne, %rem3A_21, %ne3A_22 : i32
    %lt3A = arith.constant 0 : i32
    %lt3A_24 = arith.cmpi slt, %rem3A_21, %lt3A : i32
    %lt3A_25 = arith.constant 0 : i32
    %lt3A_26 = arith.cmpi slt, %select_n3A_20, %lt3A_25 : i32
    %ne3A_27 = arith.xori %lt3A_24, %lt3A_26 : i1
    %and3A_28 = arith.andi %ne3A_27, %ne3A_23 : i1
    %add3A_29 = arith.addi %rem3A_21, %select_n3A_20 : i32
    %select_n3A_30 = arith.select %and3A_28, %add3A_29, %rem3A_21 : i32
    %iota3A = tpu.iota {dimensions = array<i32: 0>} : vector<16xi32>
    %broadcast_in_dim3A = arith.constant 0.000000e+00 : f32
    %broadcast_in_dim3A_31 = vector.broadcast %broadcast_in_dim3A : f32 to vector<16xf32>
    %eq3A_32 = arith.constant 0 : i32
    %eq3A_33 = vector.broadcast %eq3A_32 : i32 to vector<16xi32>
    %eq3A_34 = arith.cmpi eq, %iota3A, %eq3A_33 : vector<16xi32>
    %scan3A = arith.constant 0 : i32
    %scan3A_35 = arith.constant 0 : i32
    %scan3A_36 = arith.constant 256 : i32
    %scan3A_37 = arith.addi %scan3A_35, %scan3A_36 : i32
    %scan3A_38 = arith.constant 1 : i32
    %scan3A_39 = scf.for %scan3A_192 = %scan3A_35 to %scan3A_37 step %scan3A_38 iter_args(%scan3A_193 = %scan3A) -> (i32)  : i32 {
      %mul3A_194 = arith.constant 16 : i32
      %mul3A_195 = arith.muli %scan3A_192, %mul3A_194 : i32
      %swap3A = arith.index_cast %mul3A_195 : i32 to index
      %swap3A_196 = tpu.vector_load %arg10[%swap3A] {strides = array<i32>} : memref<4096xf32, #tpu.memory_space<vmem>>, vector<16xf32>,
      tpu.vector_store %arg10[%swap3A], %broadcast_in_dim3A_31 {strides = array<i32>} : memref<4096xf32, #tpu.memory_space<vmem>>, vector<16xf32>,
      %scan3A_197 = arith.constant 0 : i32
      scf.yield %scan3A_197 : i32
    }
    %scan3A_40 = arith.constant 256 : i32
    "tpu.region"() ({
      %run_scoped3A = tpu.sem_alloc : memref<!tpu.dma_semaphore, #tpu.memory_space<semaphore_mem>>
      %dma_start3A_192 = arith.constant 0 : i32
      %dma_start3A_193 = tpu.memref_slice %arg2[%add3A, %select_n3A_30, %dma_start3A_192] : memref<4x8x4096xf32, #tpu.memory_space<hbm>> -> memref<1x1x4096xf32, #tpu.memory_space<hbm>>
      %dma_start3A_194 = tpu.memref_squeeze %dma_start3A_193 : memref<1x1x4096xf32, #tpu.memory_space<hbm>> -> memref<4096xf32, #tpu.memory_space<hbm>>
      %dma_start3A_195 = arith.constant 0 : i32
      %dma_start3A_196 = tpu.memref_slice %arg2[%add3A, %select_n3A_30, %dma_start3A_195] : memref<4x8x4096xf32, #tpu.memory_space<hbm>> -> memref<1x1x4096xf32, #tpu.memory_space<hbm>>
      %dma_start3A_197 = tpu.memref_squeeze %dma_start3A_196 : memref<1x1x4096xf32, #tpu.memory_space<hbm>> -> memref<4096xf32, #tpu.memory_space<hbm>>
      tpu.enqueue_dma source(%dma_start3A_197 : memref<4096xf32, #tpu.memory_space<hbm>>) target(%arg6 : memref<4096xf32, #tpu.memory_space<vmem>>) target_semaphore(%run_scoped3A : memref<!tpu.dma_semaphore, #tpu.memory_space<semaphore_mem>>)
      %dma_wait3A_198 = arith.constant 0 : i32
      %dma_wait3A_199 = tpu.memref_slice %arg2[%add3A, %select_n3A_30, %dma_wait3A_198] : memref<4x8x4096xf32, #tpu.memory_space<hbm>> -> memref<1x1x4096xf32, #tpu.memory_space<hbm>>
      %dma_wait3A_200 = tpu.memref_squeeze %dma_wait3A_199 : memref<1x1x4096xf32, #tpu.memory_space<hbm>> -> memref<4096xf32, #tpu.memory_space<hbm>>
      %dma_wait3A_201 = arith.constant 0 : i32
      %dma_wait3A_202 = tpu.memref_slice %arg2[%add3A, %select_n3A_30, %dma_wait3A_201] : memref<4x8x4096xf32, #tpu.memory_space<hbm>> -> memref<1x1x4096xf32, #tpu.memory_space<hbm>>
      %dma_wait3A_203 = tpu.memref_squeeze %dma_wait3A_202 : memref<1x1x4096xf32, #tpu.memory_space<hbm>> -> memref<4096xf32, #tpu.memory_space<hbm>>
      tpu.wait_dma2 semaphore(%run_scoped3A : memref<!tpu.dma_semaphore, #tpu.memory_space<semaphore_mem>>) src(%dma_wait3A_203 : memref<4096xf32, #tpu.memory_space<hbm>>) dst(%arg6 : memref<4096xf32, #tpu.memory_space<vmem>>)
      tpu.yield
    }) : () -> ()
    %scan3A_41 = arith.constant 0 : i32
    %scan3A_42 = arith.constant 0 : i32
    %scan3A_43 = arith.constant 256 : i32
    %scan3A_44 = arith.addi %scan3A_42, %scan3A_43 : i32
    %scan3A_45 = arith.constant 1 : i32
    %scan3A_46 = scf.for %scan3A_192 = %scan3A_42 to %scan3A_44 step %scan3A_45 iter_args(%scan3A_193 = %scan3A_41) -> (i32)  : i32 {
      %mul3A_194 = arith.constant 16 : i32
      %mul3A_195 = arith.muli %scan3A_192, %mul3A_194 : i32
      %get3A_196 = arith.index_cast %mul3A_195 : i32 to index
      %get3A_197 = tpu.vector_load %arg6[%get3A_196] {strides = array<i32>} : memref<4096xf32, #tpu.memory_space<vmem>>, vector<16xf32>,
      %reduce_max3A = arith.constant true
      %reduce_max3A_198 = vector.broadcast %reduce_max3A : i1 to vector<16xi1>
      %reduce_max3A_199 = tpu.scan <max>, %get3A_197 masked %reduce_max3A_198 : vector<16xf32>, vector<16xi1> -> vector<16xf32>
      %reduce_max3A_200 = vector.extract %reduce_max3A_199[15] : f32 from vector<16xf32>
      %broadcast_in_dim3A_201 = vector.broadcast %scan3A_192 : i32 to vector<16xi32>
      %broadcast_in_dim3A_202 = vector.broadcast %reduce_max3A_200 : f32 to vector<16xf32>
      tpu.vector_store_idx %arg7[%broadcast_in_dim3A_201], %broadcast_in_dim3A_202 masked %eq3A_34 : memref<256xf32, #tpu.memory_space<vmem>>[vector<16xi32>], vector<16xf32>, vector<16xi1>
      %scan3A_203 = arith.constant 0 : i32
      scf.yield %scan3A_203 : i32
    }
    %scan3A_47 = arith.constant 256 : i32
    %scan3A_48 = arith.constant 0 : i32
    %scan3A_49 = arith.constant 0 : i32
    %scan3A_50 = arith.constant 16 : i32
    %scan3A_51 = arith.addi %scan3A_49, %scan3A_50 : i32
    %scan3A_52 = arith.constant 1 : i32
    %scan3A_53 = scf.for %scan3A_192 = %scan3A_49 to %scan3A_51 step %scan3A_52 iter_args(%scan3A_193 = %scan3A_48) -> (i32)  : i32 {
      %mul3A_194 = arith.constant 16 : i32
      %mul3A_195 = arith.muli %scan3A_192, %mul3A_194 : i32
      %get3A_196 = arith.index_cast %mul3A_195 : i32 to index
      %get3A_197 = tpu.vector_load %arg7[%get3A_196] {strides = array<i32>} : memref<256xf32, #tpu.memory_space<vmem>>, vector<16xf32>,
      %reduce_max3A = arith.constant true
      %reduce_max3A_198 = vector.broadcast %reduce_max3A : i1 to vector<16xi1>
      %reduce_max3A_199 = tpu.scan <max>, %get3A_197 masked %reduce_max3A_198 : vector<16xf32>, vector<16xi1> -> vector<16xf32>
      %reduce_max3A_200 = vector.extract %reduce_max3A_199[15] : f32 from vector<16xf32>
      %broadcast_in_dim3A_201 = vector.broadcast %scan3A_192 : i32 to vector<16xi32>
      %broadcast_in_dim3A_202 = vector.broadcast %reduce_max3A_200 : f32 to vector<16xf32>
      tpu.vector_store_idx %arg8[%broadcast_in_dim3A_201], %broadcast_in_dim3A_202 masked %eq3A_34 : memref<16xf32, #tpu.memory_space<vmem>>[vector<16xi32>], vector<16xf32>, vector<16xi1>
      %scan3A_203 = arith.constant 0 : i32
      scf.yield %scan3A_203 : i32
    }
    %scan3A_54 = arith.constant 16 : i32
    %scan3A_55 = arith.constant 0 : i32
    %scan3A_56 = arith.constant 0 : i32
    %scan3A_57 = arith.constant 16 : i32
    %scan3A_58 = arith.addi %scan3A_56, %scan3A_57 : i32
    %scan3A_59 = arith.constant 1 : i32
    %scan3A_60 = scf.for %scan3A_192 = %scan3A_56 to %scan3A_58 step %scan3A_59 iter_args(%scan3A_193 = %scan3A_55) -> (i32)  : i32 {
      %get3A_194 = arith.constant 0 : index
      %get3A_195 = tpu.vector_load %arg8[%get3A_194] {strides = array<i32>} : memref<16xf32, #tpu.memory_space<vmem>>, vector<16xf32>,
      %reduce_max3A = arith.constant true
      %reduce_max3A_196 = vector.broadcast %reduce_max3A : i1 to vector<16xi1>
      %reduce_max3A_197 = tpu.scan <max>, %get3A_195 masked %reduce_max3A_196 : vector<16xf32>, vector<16xi1> -> vector<16xf32>
      %reduce_max3A_198 = vector.extract %reduce_max3A_197[15] : f32 from vector<16xf32>
      %eq3A_199 = vector.broadcast %reduce_max3A_198 : f32 to vector<16xf32>
      %eq3A_200 = arith.cmpf oeq, %get3A_195, %eq3A_199 : vector<16xf32>
      %jit3A_201 = arith.constant 16 : i32
      %broadcast_in_dim3A_202 = vector.broadcast %jit3A_201 : i32 to vector<16xi32>
      %select_n3A_203 = arith.select %eq3A_200, %iota3A, %broadcast_in_dim3A_202 : vector<16xi1>, vector<16xi32>
      %reduce_min3A = arith.constant true
      %reduce_min3A_204 = vector.broadcast %reduce_min3A : i1 to vector<16xi1>
      %reduce_min3A_205 = arith.constant -2147483648 : i32
      %reduce_min3A_206 = vector.broadcast %reduce_min3A_205 : i32 to vector<16xi32>
      %reduce_min3A_207 = arith.xori %select_n3A_203, %reduce_min3A_206 : vector<16xi32>
      %reduce_min3A_208 = tpu.scan <min>, %reduce_min3A_207 masked %reduce_min3A_204 : vector<16xi32>, vector<16xi1> -> vector<16xi32>
      %reduce_min3A_209 = arith.xori %reduce_min3A_208, %reduce_min3A_206 : vector<16xi32>
      %reduce_min3A_210 = vector.extract %reduce_min3A_209[15] : i32 from vector<16xi32>
      %mul3A_211 = arith.constant 16 : i32
      %mul3A_212 = arith.muli %reduce_min3A_210, %mul3A_211 : i32
      %get3A_213 = arith.index_cast %mul3A_212 : i32 to index
      %get3A_214 = tpu.vector_load %arg7[%get3A_213] {strides = array<i32>} : memref<256xf32, #tpu.memory_space<vmem>>, vector<16xf32>,
      %eq3A_215 = vector.broadcast %reduce_max3A_198 : f32 to vector<16xf32>
      %eq3A_216 = arith.cmpf oeq, %get3A_214, %eq3A_215 : vector<16xf32>
      %jit3A_217 = arith.constant 16 : i32
      %broadcast_in_dim3A_218 = vector.broadcast %jit3A_217 : i32 to vector<16xi32>
      %select_n3A_219 = arith.select %eq3A_216, %iota3A, %broadcast_in_dim3A_218 : vector<16xi1>, vector<16xi32>
      %reduce_min3A_220 = arith.constant true
      %reduce_min3A_221 = vector.broadcast %reduce_min3A_220 : i1 to vector<16xi1>
      %reduce_min3A_222 = arith.constant -2147483648 : i32
      %reduce_min3A_223 = vector.broadcast %reduce_min3A_222 : i32 to vector<16xi32>
      %reduce_min3A_224 = arith.xori %select_n3A_219, %reduce_min3A_223 : vector<16xi32>
      %reduce_min3A_225 = tpu.scan <min>, %reduce_min3A_224 masked %reduce_min3A_221 : vector<16xi32>, vector<16xi1> -> vector<16xi32>
      %reduce_min3A_226 = arith.xori %reduce_min3A_225, %reduce_min3A_223 : vector<16xi32>
      %reduce_min3A_227 = vector.extract %reduce_min3A_226[15] : i32 from vector<16xi32>
      %mul3A_228 = arith.constant 16 : i32
      %mul3A_229 = arith.muli %reduce_min3A_210, %mul3A_228 : i32
      %add3A_230 = arith.addi %mul3A_229, %reduce_min3A_227 : i32
      %mul3A_231 = arith.constant 16 : i32
      %mul3A_232 = arith.muli %add3A_230, %mul3A_231 : i32
      %get3A_233 = arith.index_cast %mul3A_232 : i32 to index
      %get3A_234 = tpu.vector_load %arg6[%get3A_233] {strides = array<i32>} : memref<4096xf32, #tpu.memory_space<vmem>>, vector<16xf32>,
      %eq3A_235 = vector.broadcast %reduce_max3A_198 : f32 to vector<16xf32>
      %eq3A_236 = arith.cmpf oeq, %get3A_234, %eq3A_235 : vector<16xf32>
      %jit3A_237 = arith.constant 16 : i32
      %broadcast_in_dim3A_238 = vector.broadcast %jit3A_237 : i32 to vector<16xi32>
      %select_n3A_239 = arith.select %eq3A_236, %iota3A, %broadcast_in_dim3A_238 : vector<16xi1>, vector<16xi32>
      %reduce_min3A_240 = arith.constant true
      %reduce_min3A_241 = vector.broadcast %reduce_min3A_240 : i1 to vector<16xi1>
      %reduce_min3A_242 = arith.constant -2147483648 : i32
      %reduce_min3A_243 = vector.broadcast %reduce_min3A_242 : i32 to vector<16xi32>
      %reduce_min3A_244 = arith.xori %select_n3A_239, %reduce_min3A_243 : vector<16xi32>
      %reduce_min3A_245 = tpu.scan <min>, %reduce_min3A_244 masked %reduce_min3A_241 : vector<16xi32>, vector<16xi1> -> vector<16xi32>
      %reduce_min3A_246 = arith.xori %reduce_min3A_245, %reduce_min3A_243 : vector<16xi32>
      %reduce_min3A_247 = vector.extract %reduce_min3A_246[15] : i32 from vector<16xi32>
      %mul3A_248 = arith.constant 16 : i32
      %mul3A_249 = arith.muli %add3A_230, %mul3A_248 : i32
      %add3A_250 = arith.addi %mul3A_249, %reduce_min3A_247 : i32
      %broadcast_in_dim3A_251 = vector.broadcast %scan3A_192 : i32 to vector<16xi32>
      %broadcast_in_dim3A_252 = vector.broadcast %add3A_250 : i32 to vector<16xi32>
      tpu.vector_store_idx %arg9[%broadcast_in_dim3A_251], %broadcast_in_dim3A_252 masked %eq3A_34 : memref<64xi32, #tpu.memory_space<vmem>>[vector<16xi32>], vector<16xi32>, vector<16xi1>
      %broadcast_in_dim3A_253 = vector.broadcast %add3A_250 : i32 to vector<16xi32>
      %broadcast_in_dim3A_254 = arith.constant 1.000000e+00 : f32
      %broadcast_in_dim3A_255 = vector.broadcast %broadcast_in_dim3A_254 : f32 to vector<16xf32>
      tpu.vector_store_idx %arg10[%broadcast_in_dim3A_253], %broadcast_in_dim3A_255 masked %eq3A_34 : memref<4096xf32, #tpu.memory_space<vmem>>[vector<16xi32>], vector<16xf32>, vector<16xi1>
      %eq3A_256 = vector.broadcast %reduce_min3A_247 : i32 to vector<16xi32>
      %eq3A_257 = arith.cmpi eq, %iota3A, %eq3A_256 : vector<16xi32>
      %jit3A_258 = arith.constant 0xFF800000 : f32
      %broadcast_in_dim3A_259 = vector.broadcast %jit3A_258 : f32 to vector<16xf32>
      %select_n3A_260 = arith.select %eq3A_257, %broadcast_in_dim3A_259, %get3A_234 : vector<16xi1>, vector<16xf32>
      %mul3A_261 = arith.constant 16 : i32
      %mul3A_262 = arith.muli %add3A_230, %mul3A_261 : i32
      %swap3A = arith.index_cast %mul3A_262 : i32 to index
      %swap3A_263 = tpu.vector_load %arg6[%swap3A] {strides = array<i32>} : memref<4096xf32, #tpu.memory_space<vmem>>, vector<16xf32>,
      tpu.vector_store %arg6[%swap3A], %select_n3A_260 {strides = array<i32>} : memref<4096xf32, #tpu.memory_space<vmem>>, vector<16xf32>,
      %reduce_max3A_264 = arith.constant true
      %reduce_max3A_265 = vector.broadcast %reduce_max3A_264 : i1 to vector<16xi1>
      %reduce_max3A_266 = tpu.scan <max>, %select_n3A_260 masked %reduce_max3A_265 : vector<16xf32>, vector<16xi1> -> vector<16xf32>
      %reduce_max3A_267 = vector.extract %reduce_max3A_266[15] : f32 from vector<16xf32>
      %broadcast_in_dim3A_268 = vector.broadcast %add3A_230 : i32 to vector<16xi32>
      %broadcast_in_dim3A_269 = vector.broadcast %reduce_max3A_267 : f32 to vector<16xf32>
      tpu.vector_store_idx %arg7[%broadcast_in_dim3A_268], %broadcast_in_dim3A_269 masked %eq3A_34 : memref<256xf32, #tpu.memory_space<vmem>>[vector<16xi32>], vector<16xf32>, vector<16xi1>
      %eq3A_270 = vector.broadcast %reduce_min3A_227 : i32 to vector<16xi32>
      %eq3A_271 = arith.cmpi eq, %iota3A, %eq3A_270 : vector<16xi32>
      %broadcast_in_dim3A_272 = vector.broadcast %reduce_max3A_267 : f32 to vector<16xf32>
      %select_n3A_273 = arith.select %eq3A_271, %broadcast_in_dim3A_272, %get3A_214 : vector<16xi1>, vector<16xf32>
      %reduce_max3A_274 = arith.constant true
      %reduce_max3A_275 = vector.broadcast %reduce_max3A_274 : i1 to vector<16xi1>
      %reduce_max3A_276 = tpu.scan <max>, %select_n3A_273 masked %reduce_max3A_275 : vector<16xf32>, vector<16xi1> -> vector<16xf32>
      %reduce_max3A_277 = vector.extract %reduce_max3A_276[15] : f32 from vector<16xf32>
      %broadcast_in_dim3A_278 = vector.broadcast %reduce_min3A_210 : i32 to vector<16xi32>
      %broadcast_in_dim3A_279 = vector.broadcast %reduce_max3A_277 : f32 to vector<16xf32>
      tpu.vector_store_idx %arg8[%broadcast_in_dim3A_278], %broadcast_in_dim3A_279 masked %eq3A_34 : memref<16xf32, #tpu.memory_space<vmem>>[vector<16xi32>], vector<16xf32>, vector<16xi1>
      %scan3A_280 = arith.constant 0 : i32
      scf.yield %scan3A_280 : i32
    }
    %scan3A_61 = arith.constant 16 : i32
    %get3A = arith.constant 0 : index
    %get3A_62 = tpu.vector_load %arg9[%get3A] {strides = array<i32>} : memref<64xi32, #tpu.memory_space<vmem>>, vector<16xi32>,
    %mul3A_63 = arith.constant 4096 : i32
    %mul3A_64 = arith.muli %add3A, %mul3A_63 : i32
    %add3A_65 = vector.broadcast %mul3A_64 : i32 to vector<16xi32>
    %add3A_66 = arith.addi %get3A_62, %add3A_65 : vector<16xi32>
    %dma_start3A = arith.constant 0 : i32
    %dma_start3A_67 = arith.constant 0 : i32
    %dma_start3A_68 = tpu.memref_slice %arg3[%dma_start3A, %dma_start3A_67] : memref<16384x2048xf32, #tpu.memory_space<hbm>> -> memref<16384x2048xf32, #tpu.memory_space<hbm>>
    tpu.enqueue_indirect_dma source(%dma_start3A_68 : memref<16384x2048xf32, #tpu.memory_space<hbm>>) target(%arg11 : memref<16x2048xf32, #tpu.memory_space<vmem>>) offsets(%add3A_66 : vector<16xi32>) semaphore(%arg13 : memref<!tpu.dma_semaphore, #tpu.memory_space<semaphore_mem>>)
    %scan3A_69 = arith.constant 0 : i32
    %scan3A_70 = arith.constant 16 : i32
    %scan3A_71 = arith.constant 16 : i32
    %scan3A_72 = arith.addi %scan3A_70, %scan3A_71 : i32
    %scan3A_73 = arith.constant 1 : i32
    %scan3A_74 = scf.for %scan3A_192 = %scan3A_70 to %scan3A_72 step %scan3A_73 iter_args(%scan3A_193 = %scan3A_69) -> (i32)  : i32 {
      %get3A_194 = arith.constant 0 : index
      %get3A_195 = tpu.vector_load %arg8[%get3A_194] {strides = array<i32>} : memref<16xf32, #tpu.memory_space<vmem>>, vector<16xf32>,
      %reduce_max3A = arith.constant true
      %reduce_max3A_196 = vector.broadcast %reduce_max3A : i1 to vector<16xi1>
      %reduce_max3A_197 = tpu.scan <max>, %get3A_195 masked %reduce_max3A_196 : vector<16xf32>, vector<16xi1> -> vector<16xf32>
      %reduce_max3A_198 = vector.extract %reduce_max3A_197[15] : f32 from vector<16xf32>
      %eq3A_199 = vector.broadcast %reduce_max3A_198 : f32 to vector<16xf32>
      %eq3A_200 = arith.cmpf oeq, %get3A_195, %eq3A_199 : vector<16xf32>
      %jit3A_201 = arith.constant 16 : i32
      %broadcast_in_dim3A_202 = vector.broadcast %jit3A_201 : i32 to vector<16xi32>
      %select_n3A_203 = arith.select %eq3A_200, %iota3A, %broadcast_in_dim3A_202 : vector<16xi1>, vector<16xi32>
      %reduce_min3A = arith.constant true
      %reduce_min3A_204 = vector.broadcast %reduce_min3A : i1 to vector<16xi1>
      %reduce_min3A_205 = arith.constant -2147483648 : i32
      %reduce_min3A_206 = vector.broadcast %reduce_min3A_205 : i32 to vector<16xi32>
      %reduce_min3A_207 = arith.xori %select_n3A_203, %reduce_min3A_206 : vector<16xi32>
      %reduce_min3A_208 = tpu.scan <min>, %reduce_min3A_207 masked %reduce_min3A_204 : vector<16xi32>, vector<16xi1> -> vector<16xi32>
      %reduce_min3A_209 = arith.xori %reduce_min3A_208, %reduce_min3A_206 : vector<16xi32>
      %reduce_min3A_210 = vector.extract %reduce_min3A_209[15] : i32 from vector<16xi32>
      %mul3A_211 = arith.constant 16 : i32
      %mul3A_212 = arith.muli %reduce_min3A_210, %mul3A_211 : i32
      %get3A_213 = arith.index_cast %mul3A_212 : i32 to index
      %get3A_214 = tpu.vector_load %arg7[%get3A_213] {strides = array<i32>} : memref<256xf32, #tpu.memory_space<vmem>>, vector<16xf32>,
      %eq3A_215 = vector.broadcast %reduce_max3A_198 : f32 to vector<16xf32>
      %eq3A_216 = arith.cmpf oeq, %get3A_214, %eq3A_215 : vector<16xf32>
      %jit3A_217 = arith.constant 16 : i32
      %broadcast_in_dim3A_218 = vector.broadcast %jit3A_217 : i32 to vector<16xi32>
      %select_n3A_219 = arith.select %eq3A_216, %iota3A, %broadcast_in_dim3A_218 : vector<16xi1>, vector<16xi32>
      %reduce_min3A_220 = arith.constant true
      %reduce_min3A_221 = vector.broadcast %reduce_min3A_220 : i1 to vector<16xi1>
      %reduce_min3A_222 = arith.constant -2147483648 : i32
      %reduce_min3A_223 = vector.broadcast %reduce_min3A_222 : i32 to vector<16xi32>
      %reduce_min3A_224 = arith.xori %select_n3A_219, %reduce_min3A_223 : vector<16xi32>
      %reduce_min3A_225 = tpu.scan <min>, %reduce_min3A_224 masked %reduce_min3A_221 : vector<16xi32>, vector<16xi1> -> vector<16xi32>
      %reduce_min3A_226 = arith.xori %reduce_min3A_225, %reduce_min3A_223 : vector<16xi32>
      %reduce_min3A_227 = vector.extract %reduce_min3A_226[15] : i32 from vector<16xi32>
      %mul3A_228 = arith.constant 16 : i32
      %mul3A_229 = arith.muli %reduce_min3A_210, %mul3A_228 : i32
      %add3A_230 = arith.addi %mul3A_229, %reduce_min3A_227 : i32
      %mul3A_231 = arith.constant 16 : i32
      %mul3A_232 = arith.muli %add3A_230, %mul3A_231 : i32
      %get3A_233 = arith.index_cast %mul3A_232 : i32 to index
      %get3A_234 = tpu.vector_load %arg6[%get3A_233] {strides = array<i32>} : memref<4096xf32, #tpu.memory_space<vmem>>, vector<16xf32>,
      %eq3A_235 = vector.broadcast %reduce_max3A_198 : f32 to vector<16xf32>
      %eq3A_236 = arith.cmpf oeq, %get3A_234, %eq3A_235 : vector<16xf32>
      %jit3A_237 = arith.constant 16 : i32
      %broadcast_in_dim3A_238 = vector.broadcast %jit3A_237 : i32 to vector<16xi32>
      %select_n3A_239 = arith.select %eq3A_236, %iota3A, %broadcast_in_dim3A_238 : vector<16xi1>, vector<16xi32>
      %reduce_min3A_240 = arith.constant true
      %reduce_min3A_241 = vector.broadcast %reduce_min3A_240 : i1 to vector<16xi1>
      %reduce_min3A_242 = arith.constant -2147483648 : i32
      %reduce_min3A_243 = vector.broadcast %reduce_min3A_242 : i32 to vector<16xi32>
      %reduce_min3A_244 = arith.xori %select_n3A_239, %reduce_min3A_243 : vector<16xi32>
      %reduce_min3A_245 = tpu.scan <min>, %reduce_min3A_244 masked %reduce_min3A_241 : vector<16xi32>, vector<16xi1> -> vector<16xi32>
      %reduce_min3A_246 = arith.xori %reduce_min3A_245, %reduce_min3A_243 : vector<16xi32>
      %reduce_min3A_247 = vector.extract %reduce_min3A_246[15] : i32 from vector<16xi32>
      %mul3A_248 = arith.constant 16 : i32
      %mul3A_249 = arith.muli %add3A_230, %mul3A_248 : i32
      %add3A_250 = arith.addi %mul3A_249, %reduce_min3A_247 : i32
      %broadcast_in_dim3A_251 = vector.broadcast %scan3A_192 : i32 to vector<16xi32>
      %broadcast_in_dim3A_252 = vector.broadcast %add3A_250 : i32 to vector<16xi32>
      tpu.vector_store_idx %arg9[%broadcast_in_dim3A_251], %broadcast_in_dim3A_252 masked %eq3A_34 : memref<64xi32, #tpu.memory_space<vmem>>[vector<16xi32>], vector<16xi32>, vector<16xi1>
      %broadcast_in_dim3A_253 = vector.broadcast %add3A_250 : i32 to vector<16xi32>
      %broadcast_in_dim3A_254 = arith.constant 1.000000e+00 : f32
      %broadcast_in_dim3A_255 = vector.broadcast %broadcast_in_dim3A_254 : f32 to vector<16xf32>
      tpu.vector_store_idx %arg10[%broadcast_in_dim3A_253], %broadcast_in_dim3A_255 masked %eq3A_34 : memref<4096xf32, #tpu.memory_space<vmem>>[vector<16xi32>], vector<16xf32>, vector<16xi1>
      %eq3A_256 = vector.broadcast %reduce_min3A_247 : i32 to vector<16xi32>
      %eq3A_257 = arith.cmpi eq, %iota3A, %eq3A_256 : vector<16xi32>
      %jit3A_258 = arith.constant 0xFF800000 : f32
      %broadcast_in_dim3A_259 = vector.broadcast %jit3A_258 : f32 to vector<16xf32>
      %select_n3A_260 = arith.select %eq3A_257, %broadcast_in_dim3A_259, %get3A_234 : vector<16xi1>, vector<16xf32>
      %mul3A_261 = arith.constant 16 : i32
      %mul3A_262 = arith.muli %add3A_230, %mul3A_261 : i32
      %swap3A = arith.index_cast %mul3A_262 : i32 to index
      %swap3A_263 = tpu.vector_load %arg6[%swap3A] {strides = array<i32>} : memref<4096xf32, #tpu.memory_space<vmem>>, vector<16xf32>,
      tpu.vector_store %arg6[%swap3A], %select_n3A_260 {strides = array<i32>} : memref<4096xf32, #tpu.memory_space<vmem>>, vector<16xf32>,
      %reduce_max3A_264 = arith.constant true
      %reduce_max3A_265 = vector.broadcast %reduce_max3A_264 : i1 to vector<16xi1>
      %reduce_max3A_266 = tpu.scan <max>, %select_n3A_260 masked %reduce_max3A_265 : vector<16xf32>, vector<16xi1> -> vector<16xf32>
      %reduce_max3A_267 = vector.extract %reduce_max3A_266[15] : f32 from vector<16xf32>
      %broadcast_in_dim3A_268 = vector.broadcast %add3A_230 : i32 to vector<16xi32>
      %broadcast_in_dim3A_269 = vector.broadcast %reduce_max3A_267 : f32 to vector<16xf32>
      tpu.vector_store_idx %arg7[%broadcast_in_dim3A_268], %broadcast_in_dim3A_269 masked %eq3A_34 : memref<256xf32, #tpu.memory_space<vmem>>[vector<16xi32>], vector<16xf32>, vector<16xi1>
      %eq3A_270 = vector.broadcast %reduce_min3A_227 : i32 to vector<16xi32>
      %eq3A_271 = arith.cmpi eq, %iota3A, %eq3A_270 : vector<16xi32>
      %broadcast_in_dim3A_272 = vector.broadcast %reduce_max3A_267 : f32 to vector<16xf32>
      %select_n3A_273 = arith.select %eq3A_271, %broadcast_in_dim3A_272, %get3A_214 : vector<16xi1>, vector<16xf32>
      %reduce_max3A_274 = arith.constant true
      %reduce_max3A_275 = vector.broadcast %reduce_max3A_274 : i1 to vector<16xi1>
      %reduce_max3A_276 = tpu.scan <max>, %select_n3A_273 masked %reduce_max3A_275 : vector<16xf32>, vector<16xi1> -> vector<16xf32>
      %reduce_max3A_277 = vector.extract %reduce_max3A_276[15] : f32 from vector<16xf32>
      %broadcast_in_dim3A_278 = vector.broadcast %reduce_min3A_210 : i32 to vector<16xi32>
      %broadcast_in_dim3A_279 = vector.broadcast %reduce_max3A_277 : f32 to vector<16xf32>
      tpu.vector_store_idx %arg8[%broadcast_in_dim3A_278], %broadcast_in_dim3A_279 masked %eq3A_34 : memref<16xf32, #tpu.memory_space<vmem>>[vector<16xi32>], vector<16xf32>, vector<16xi1>
      %scan3A_280 = arith.constant 0 : i32
      scf.yield %scan3A_280 : i32
    }
    %scan3A_75 = arith.constant 16 : i32
    %get3A_76 = arith.constant 16 : index
    %get3A_77 = tpu.vector_load %arg9[%get3A_76] {strides = array<i32>} : memref<64xi32, #tpu.memory_space<vmem>>, vector<16xi32>,
    %mul3A_78 = arith.constant 4096 : i32
    %mul3A_79 = arith.muli %add3A, %mul3A_78 : i32
    %add3A_80 = vector.broadcast %mul3A_79 : i32 to vector<16xi32>
    %add3A_81 = arith.addi %get3A_77, %add3A_80 : vector<16xi32>
    %dma_start3A_82 = arith.constant 0 : i32
    %dma_start3A_83 = arith.constant 0 : i32
    %dma_start3A_84 = tpu.memref_slice %arg3[%dma_start3A_82, %dma_start3A_83] : memref<16384x2048xf32, #tpu.memory_space<hbm>> -> memref<16384x2048xf32, #tpu.memory_space<hbm>>
    tpu.enqueue_indirect_dma source(%dma_start3A_84 : memref<16384x2048xf32, #tpu.memory_space<hbm>>) target(%arg12 : memref<16x2048xf32, #tpu.memory_space<vmem>>) offsets(%add3A_81 : vector<16xi32>) semaphore(%arg14 : memref<!tpu.dma_semaphore, #tpu.memory_space<semaphore_mem>>)
    %dma_wait3A = arith.constant 0 : i32
    %dma_wait3A_85 = arith.constant 0 : i32
    %dma_wait3A_86 = tpu.memref_slice %arg3[%dma_wait3A, %dma_wait3A_85] : memref<16384x2048xf32, #tpu.memory_space<hbm>> -> memref<16384x2048xf32, #tpu.memory_space<hbm>>
    tpu.wait_indirect_dma semaphore(%arg13 : memref<!tpu.dma_semaphore, #tpu.memory_space<semaphore_mem>>) src(%dma_wait3A_86 : memref<16384x2048xf32, #tpu.memory_space<hbm>>) dst(%arg11 : memref<16x2048xf32, #tpu.memory_space<vmem>>)
    %dma_start3A_87 = arith.constant 0 : i32
    %dma_start3A_88 = arith.constant 0 : i32
    %dma_start3A_89 = tpu.memref_slice %arg5[%add3A, %select_n3A_30, %dma_start3A_87, %dma_start3A_88] : memref<4x8x64x2048xf32, #tpu.memory_space<hbm>> -> memref<1x1x16x2048xf32, #tpu.memory_space<hbm>>
    %dma_start3A_90 = tpu.memref_squeeze %dma_start3A_89 : memref<1x1x16x2048xf32, #tpu.memory_space<hbm>> -> memref<16x2048xf32, #tpu.memory_space<hbm>>
    %dma_start3A_91 = arith.constant 0 : i32
    %dma_start3A_92 = arith.constant 0 : i32
    %dma_start3A_93 = tpu.memref_slice %arg5[%add3A, %select_n3A_30, %dma_start3A_91, %dma_start3A_92] : memref<4x8x64x2048xf32, #tpu.memory_space<hbm>> -> memref<1x1x16x2048xf32, #tpu.memory_space<hbm>>
    %dma_start3A_94 = tpu.memref_squeeze %dma_start3A_93 : memref<1x1x16x2048xf32, #tpu.memory_space<hbm>> -> memref<16x2048xf32, #tpu.memory_space<hbm>>
    tpu.enqueue_dma source(%arg11 : memref<16x2048xf32, #tpu.memory_space<vmem>>) target(%dma_start3A_94 : memref<16x2048xf32, #tpu.memory_space<hbm>>) target_semaphore(%arg15 : memref<!tpu.dma_semaphore, #tpu.memory_space<semaphore_mem>>)
    %scan3A_95 = arith.constant 0 : i32
    %scan3A_96 = arith.constant 32 : i32
    %scan3A_97 = arith.constant 16 : i32
    %scan3A_98 = arith.addi %scan3A_96, %scan3A_97 : i32
    %scan3A_99 = arith.constant 1 : i32
    %scan3A_100 = scf.for %scan3A_192 = %scan3A_96 to %scan3A_98 step %scan3A_99 iter_args(%scan3A_193 = %scan3A_95) -> (i32)  : i32 {
      %get3A_194 = arith.constant 0 : index
      %get3A_195 = tpu.vector_load %arg8[%get3A_194] {strides = array<i32>} : memref<16xf32, #tpu.memory_space<vmem>>, vector<16xf32>,
      %reduce_max3A = arith.constant true
      %reduce_max3A_196 = vector.broadcast %reduce_max3A : i1 to vector<16xi1>
      %reduce_max3A_197 = tpu.scan <max>, %get3A_195 masked %reduce_max3A_196 : vector<16xf32>, vector<16xi1> -> vector<16xf32>
      %reduce_max3A_198 = vector.extract %reduce_max3A_197[15] : f32 from vector<16xf32>
      %eq3A_199 = vector.broadcast %reduce_max3A_198 : f32 to vector<16xf32>
      %eq3A_200 = arith.cmpf oeq, %get3A_195, %eq3A_199 : vector<16xf32>
      %jit3A_201 = arith.constant 16 : i32
      %broadcast_in_dim3A_202 = vector.broadcast %jit3A_201 : i32 to vector<16xi32>
      %select_n3A_203 = arith.select %eq3A_200, %iota3A, %broadcast_in_dim3A_202 : vector<16xi1>, vector<16xi32>
      %reduce_min3A = arith.constant true
      %reduce_min3A_204 = vector.broadcast %reduce_min3A : i1 to vector<16xi1>
      %reduce_min3A_205 = arith.constant -2147483648 : i32
      %reduce_min3A_206 = vector.broadcast %reduce_min3A_205 : i32 to vector<16xi32>
      %reduce_min3A_207 = arith.xori %select_n3A_203, %reduce_min3A_206 : vector<16xi32>
      %reduce_min3A_208 = tpu.scan <min>, %reduce_min3A_207 masked %reduce_min3A_204 : vector<16xi32>, vector<16xi1> -> vector<16xi32>
      %reduce_min3A_209 = arith.xori %reduce_min3A_208, %reduce_min3A_206 : vector<16xi32>
      %reduce_min3A_210 = vector.extract %reduce_min3A_209[15] : i32 from vector<16xi32>
      %mul3A_211 = arith.constant 16 : i32
      %mul3A_212 = arith.muli %reduce_min3A_210, %mul3A_211 : i32
      %get3A_213 = arith.index_cast %mul3A_212 : i32 to index
      %get3A_214 = tpu.vector_load %arg7[%get3A_213] {strides = array<i32>} : memref<256xf32, #tpu.memory_space<vmem>>, vector<16xf32>,
      %eq3A_215 = vector.broadcast %reduce_max3A_198 : f32 to vector<16xf32>
      %eq3A_216 = arith.cmpf oeq, %get3A_214, %eq3A_215 : vector<16xf32>
      %jit3A_217 = arith.constant 16 : i32
      %broadcast_in_dim3A_218 = vector.broadcast %jit3A_217 : i32 to vector<16xi32>
      %select_n3A_219 = arith.select %eq3A_216, %iota3A, %broadcast_in_dim3A_218 : vector<16xi1>, vector<16xi32>
      %reduce_min3A_220 = arith.constant true
      %reduce_min3A_221 = vector.broadcast %reduce_min3A_220 : i1 to vector<16xi1>
      %reduce_min3A_222 = arith.constant -2147483648 : i32
      %reduce_min3A_223 = vector.broadcast %reduce_min3A_222 : i32 to vector<16xi32>
      %reduce_min3A_224 = arith.xori %select_n3A_219, %reduce_min3A_223 : vector<16xi32>
      %reduce_min3A_225 = tpu.scan <min>, %reduce_min3A_224 masked %reduce_min3A_221 : vector<16xi32>, vector<16xi1> -> vector<16xi32>
      %reduce_min3A_226 = arith.xori %reduce_min3A_225, %reduce_min3A_223 : vector<16xi32>
      %reduce_min3A_227 = vector.extract %reduce_min3A_226[15] : i32 from vector<16xi32>
      %mul3A_228 = arith.constant 16 : i32
      %mul3A_229 = arith.muli %reduce_min3A_210, %mul3A_228 : i32
      %add3A_230 = arith.addi %mul3A_229, %reduce_min3A_227 : i32
      %mul3A_231 = arith.constant 16 : i32
      %mul3A_232 = arith.muli %add3A_230, %mul3A_231 : i32
      %get3A_233 = arith.index_cast %mul3A_232 : i32 to index
      %get3A_234 = tpu.vector_load %arg6[%get3A_233] {strides = array<i32>} : memref<4096xf32, #tpu.memory_space<vmem>>, vector<16xf32>,
      %eq3A_235 = vector.broadcast %reduce_max3A_198 : f32 to vector<16xf32>
      %eq3A_236 = arith.cmpf oeq, %get3A_234, %eq3A_235 : vector<16xf32>
      %jit3A_237 = arith.constant 16 : i32
      %broadcast_in_dim3A_238 = vector.broadcast %jit3A_237 : i32 to vector<16xi32>
      %select_n3A_239 = arith.select %eq3A_236, %iota3A, %broadcast_in_dim3A_238 : vector<16xi1>, vector<16xi32>
      %reduce_min3A_240 = arith.constant true
      %reduce_min3A_241 = vector.broadcast %reduce_min3A_240 : i1 to vector<16xi1>
      %reduce_min3A_242 = arith.constant -2147483648 : i32
      %reduce_min3A_243 = vector.broadcast %reduce_min3A_242 : i32 to vector<16xi32>
      %reduce_min3A_244 = arith.xori %select_n3A_239, %reduce_min3A_243 : vector<16xi32>
      %reduce_min3A_245 = tpu.scan <min>, %reduce_min3A_244 masked %reduce_min3A_241 : vector<16xi32>, vector<16xi1> -> vector<16xi32>
      %reduce_min3A_246 = arith.xori %reduce_min3A_245, %reduce_min3A_243 : vector<16xi32>
      %reduce_min3A_247 = vector.extract %reduce_min3A_246[15] : i32 from vector<16xi32>
      %mul3A_248 = arith.constant 16 : i32
      %mul3A_249 = arith.muli %add3A_230, %mul3A_248 : i32
      %add3A_250 = arith.addi %mul3A_249, %reduce_min3A_247 : i32
      %broadcast_in_dim3A_251 = vector.broadcast %scan3A_192 : i32 to vector<16xi32>
      %broadcast_in_dim3A_252 = vector.broadcast %add3A_250 : i32 to vector<16xi32>
      tpu.vector_store_idx %arg9[%broadcast_in_dim3A_251], %broadcast_in_dim3A_252 masked %eq3A_34 : memref<64xi32, #tpu.memory_space<vmem>>[vector<16xi32>], vector<16xi32>, vector<16xi1>
      %broadcast_in_dim3A_253 = vector.broadcast %add3A_250 : i32 to vector<16xi32>
      %broadcast_in_dim3A_254 = arith.constant 1.000000e+00 : f32
      %broadcast_in_dim3A_255 = vector.broadcast %broadcast_in_dim3A_254 : f32 to vector<16xf32>
      tpu.vector_store_idx %arg10[%broadcast_in_dim3A_253], %broadcast_in_dim3A_255 masked %eq3A_34 : memref<4096xf32, #tpu.memory_space<vmem>>[vector<16xi32>], vector<16xf32>, vector<16xi1>
      %eq3A_256 = vector.broadcast %reduce_min3A_247 : i32 to vector<16xi32>
      %eq3A_257 = arith.cmpi eq, %iota3A, %eq3A_256 : vector<16xi32>
      %jit3A_258 = arith.constant 0xFF800000 : f32
      %broadcast_in_dim3A_259 = vector.broadcast %jit3A_258 : f32 to vector<16xf32>
      %select_n3A_260 = arith.select %eq3A_257, %broadcast_in_dim3A_259, %get3A_234 : vector<16xi1>, vector<16xf32>
      %mul3A_261 = arith.constant 16 : i32
      %mul3A_262 = arith.muli %add3A_230, %mul3A_261 : i32
      %swap3A = arith.index_cast %mul3A_262 : i32 to index
      %swap3A_263 = tpu.vector_load %arg6[%swap3A] {strides = array<i32>} : memref<4096xf32, #tpu.memory_space<vmem>>, vector<16xf32>,
      tpu.vector_store %arg6[%swap3A], %select_n3A_260 {strides = array<i32>} : memref<4096xf32, #tpu.memory_space<vmem>>, vector<16xf32>,
      %reduce_max3A_264 = arith.constant true
      %reduce_max3A_265 = vector.broadcast %reduce_max3A_264 : i1 to vector<16xi1>
      %reduce_max3A_266 = tpu.scan <max>, %select_n3A_260 masked %reduce_max3A_265 : vector<16xf32>, vector<16xi1> -> vector<16xf32>
      %reduce_max3A_267 = vector.extract %reduce_max3A_266[15] : f32 from vector<16xf32>
      %broadcast_in_dim3A_268 = vector.broadcast %add3A_230 : i32 to vector<16xi32>
      %broadcast_in_dim3A_269 = vector.broadcast %reduce_max3A_267 : f32 to vector<16xf32>
      tpu.vector_store_idx %arg7[%broadcast_in_dim3A_268], %broadcast_in_dim3A_269 masked %eq3A_34 : memref<256xf32, #tpu.memory_space<vmem>>[vector<16xi32>], vector<16xf32>, vector<16xi1>
      %eq3A_270 = vector.broadcast %reduce_min3A_227 : i32 to vector<16xi32>
      %eq3A_271 = arith.cmpi eq, %iota3A, %eq3A_270 : vector<16xi32>
      %broadcast_in_dim3A_272 = vector.broadcast %reduce_max3A_267 : f32 to vector<16xf32>
      %select_n3A_273 = arith.select %eq3A_271, %broadcast_in_dim3A_272, %get3A_214 : vector<16xi1>, vector<16xf32>
      %reduce_max3A_274 = arith.constant true
      %reduce_max3A_275 = vector.broadcast %reduce_max3A_274 : i1 to vector<16xi1>
      %reduce_max3A_276 = tpu.scan <max>, %select_n3A_273 masked %reduce_max3A_275 : vector<16xf32>, vector<16xi1> -> vector<16xf32>
      %reduce_max3A_277 = vector.extract %reduce_max3A_276[15] : f32 from vector<16xf32>
      %broadcast_in_dim3A_278 = vector.broadcast %reduce_min3A_210 : i32 to vector<16xi32>
      %broadcast_in_dim3A_279 = vector.broadcast %reduce_max3A_277 : f32 to vector<16xf32>
      tpu.vector_store_idx %arg8[%broadcast_in_dim3A_278], %broadcast_in_dim3A_279 masked %eq3A_34 : memref<16xf32, #tpu.memory_space<vmem>>[vector<16xi32>], vector<16xf32>, vector<16xi1>
      %scan3A_280 = arith.constant 0 : i32
      scf.yield %scan3A_280 : i32
    }
    %scan3A_101 = arith.constant 16 : i32
    %dma_wait3A_102 = arith.constant 0 : i32
    %dma_wait3A_103 = arith.constant 0 : i32
    %dma_wait3A_104 = tpu.memref_slice %arg5[%add3A, %select_n3A_30, %dma_wait3A_102, %dma_wait3A_103] : memref<4x8x64x2048xf32, #tpu.memory_space<hbm>> -> memref<1x1x16x2048xf32, #tpu.memory_space<hbm>>
    %dma_wait3A_105 = tpu.memref_squeeze %dma_wait3A_104 : memref<1x1x16x2048xf32, #tpu.memory_space<hbm>> -> memref<16x2048xf32, #tpu.memory_space<hbm>>
    %dma_wait3A_106 = arith.constant 0 : i32
    %dma_wait3A_107 = arith.constant 0 : i32
    %dma_wait3A_108 = tpu.memref_slice %arg5[%add3A, %select_n3A_30, %dma_wait3A_106, %dma_wait3A_107] : memref<4x8x64x2048xf32, #tpu.memory_space<hbm>> -> memref<1x1x16x2048xf32, #tpu.memory_space<hbm>>
    %dma_wait3A_109 = tpu.memref_squeeze %dma_wait3A_108 : memref<1x1x16x2048xf32, #tpu.memory_space<hbm>> -> memref<16x2048xf32, #tpu.memory_space<hbm>>
    tpu.wait_dma2 semaphore(%arg15 : memref<!tpu.dma_semaphore, #tpu.memory_space<semaphore_mem>>) src(%arg11 : memref<16x2048xf32, #tpu.memory_space<vmem>>) dst(%dma_wait3A_109 : memref<16x2048xf32, #tpu.memory_space<hbm>>)
    %get3A_110 = arith.constant 32 : index
    %get3A_111 = tpu.vector_load %arg9[%get3A_110] {strides = array<i32>} : memref<64xi32, #tpu.memory_space<vmem>>, vector<16xi32>,
    %mul3A_112 = arith.constant 4096 : i32
    %mul3A_113 = arith.muli %add3A, %mul3A_112 : i32
    %add3A_114 = vector.broadcast %mul3A_113 : i32 to vector<16xi32>
    %add3A_115 = arith.addi %get3A_111, %add3A_114 : vector<16xi32>
    %dma_start3A_116 = arith.constant 0 : i32
    %dma_start3A_117 = arith.constant 0 : i32
    %dma_start3A_118 = tpu.memref_slice %arg3[%dma_start3A_116, %dma_start3A_117] : memref<16384x2048xf32, #tpu.memory_space<hbm>> -> memref<16384x2048xf32, #tpu.memory_space<hbm>>
    tpu.enqueue_indirect_dma source(%dma_start3A_118 : memref<16384x2048xf32, #tpu.memory_space<hbm>>) target(%arg11 : memref<16x2048xf32, #tpu.memory_space<vmem>>) offsets(%add3A_115 : vector<16xi32>) semaphore(%arg13 : memref<!tpu.dma_semaphore, #tpu.memory_space<semaphore_mem>>)
    %dma_wait3A_119 = arith.constant 0 : i32
    %dma_wait3A_120 = arith.constant 0 : i32
    %dma_wait3A_121 = tpu.memref_slice %arg3[%dma_wait3A_119, %dma_wait3A_120] : memref<16384x2048xf32, #tpu.memory_space<hbm>> -> memref<16384x2048xf32, #tpu.memory_space<hbm>>
    tpu.wait_indirect_dma semaphore(%arg14 : memref<!tpu.dma_semaphore, #tpu.memory_space<semaphore_mem>>) src(%dma_wait3A_121 : memref<16384x2048xf32, #tpu.memory_space<hbm>>) dst(%arg12 : memref<16x2048xf32, #tpu.memory_space<vmem>>)
    %dma_start3A_122 = arith.constant 16 : i32
    %dma_start3A_123 = arith.constant 0 : i32
    %dma_start3A_124 = tpu.memref_slice %arg5[%add3A, %select_n3A_30, %dma_start3A_122, %dma_start3A_123] : memref<4x8x64x2048xf32, #tpu.memory_space<hbm>> -> memref<1x1x16x2048xf32, #tpu.memory_space<hbm>>
    %dma_start3A_125 = tpu.memref_squeeze %dma_start3A_124 : memref<1x1x16x2048xf32, #tpu.memory_space<hbm>> -> memref<16x2048xf32, #tpu.memory_space<hbm>>
    %dma_start3A_126 = arith.constant 16 : i32
    %dma_start3A_127 = arith.constant 0 : i32
    %dma_start3A_128 = tpu.memref_slice %arg5[%add3A, %select_n3A_30, %dma_start3A_126, %dma_start3A_127] : memref<4x8x64x2048xf32, #tpu.memory_space<hbm>> -> memref<1x1x16x2048xf32, #tpu.memory_space<hbm>>
    %dma_start3A_129 = tpu.memref_squeeze %dma_start3A_128 : memref<1x1x16x2048xf32, #tpu.memory_space<hbm>> -> memref<16x2048xf32, #tpu.memory_space<hbm>>
    tpu.enqueue_dma source(%arg12 : memref<16x2048xf32, #tpu.memory_space<vmem>>) target(%dma_start3A_129 : memref<16x2048xf32, #tpu.memory_space<hbm>>) target_semaphore(%arg16 : memref<!tpu.dma_semaphore, #tpu.memory_space<semaphore_mem>>)
    %scan3A_130 = arith.constant 0 : i32
    %scan3A_131 = arith.constant 48 : i32
    %scan3A_132 = arith.constant 16 : i32
    %scan3A_133 = arith.addi %scan3A_131, %scan3A_132 : i32
    %scan3A_134 = arith.constant 1 : i32
    %scan3A_135 = scf.for %scan3A_192 = %scan3A_131 to %scan3A_133 step %scan3A_134 iter_args(%scan3A_193 = %scan3A_130) -> (i32)  : i32 {
      %get3A_194 = arith.constant 0 : index
      %get3A_195 = tpu.vector_load %arg8[%get3A_194] {strides = array<i32>} : memref<16xf32, #tpu.memory_space<vmem>>, vector<16xf32>,
      %reduce_max3A = arith.constant true
      %reduce_max3A_196 = vector.broadcast %reduce_max3A : i1 to vector<16xi1>
      %reduce_max3A_197 = tpu.scan <max>, %get3A_195 masked %reduce_max3A_196 : vector<16xf32>, vector<16xi1> -> vector<16xf32>
      %reduce_max3A_198 = vector.extract %reduce_max3A_197[15] : f32 from vector<16xf32>
      %eq3A_199 = vector.broadcast %reduce_max3A_198 : f32 to vector<16xf32>
      %eq3A_200 = arith.cmpf oeq, %get3A_195, %eq3A_199 : vector<16xf32>
      %jit3A_201 = arith.constant 16 : i32
      %broadcast_in_dim3A_202 = vector.broadcast %jit3A_201 : i32 to vector<16xi32>
      %select_n3A_203 = arith.select %eq3A_200, %iota3A, %broadcast_in_dim3A_202 : vector<16xi1>, vector<16xi32>
      %reduce_min3A = arith.constant true
      %reduce_min3A_204 = vector.broadcast %reduce_min3A : i1 to vector<16xi1>
      %reduce_min3A_205 = arith.constant -2147483648 : i32
      %reduce_min3A_206 = vector.broadcast %reduce_min3A_205 : i32 to vector<16xi32>
      %reduce_min3A_207 = arith.xori %select_n3A_203, %reduce_min3A_206 : vector<16xi32>
      %reduce_min3A_208 = tpu.scan <min>, %reduce_min3A_207 masked %reduce_min3A_204 : vector<16xi32>, vector<16xi1> -> vector<16xi32>
      %reduce_min3A_209 = arith.xori %reduce_min3A_208, %reduce_min3A_206 : vector<16xi32>
      %reduce_min3A_210 = vector.extract %reduce_min3A_209[15] : i32 from vector<16xi32>
      %mul3A_211 = arith.constant 16 : i32
      %mul3A_212 = arith.muli %reduce_min3A_210, %mul3A_211 : i32
      %get3A_213 = arith.index_cast %mul3A_212 : i32 to index
      %get3A_214 = tpu.vector_load %arg7[%get3A_213] {strides = array<i32>} : memref<256xf32, #tpu.memory_space<vmem>>, vector<16xf32>,
      %eq3A_215 = vector.broadcast %reduce_max3A_198 : f32 to vector<16xf32>
      %eq3A_216 = arith.cmpf oeq, %get3A_214, %eq3A_215 : vector<16xf32>
      %jit3A_217 = arith.constant 16 : i32
      %broadcast_in_dim3A_218 = vector.broadcast %jit3A_217 : i32 to vector<16xi32>
      %select_n3A_219 = arith.select %eq3A_216, %iota3A, %broadcast_in_dim3A_218 : vector<16xi1>, vector<16xi32>
      %reduce_min3A_220 = arith.constant true
      %reduce_min3A_221 = vector.broadcast %reduce_min3A_220 : i1 to vector<16xi1>
      %reduce_min3A_222 = arith.constant -2147483648 : i32
      %reduce_min3A_223 = vector.broadcast %reduce_min3A_222 : i32 to vector<16xi32>
      %reduce_min3A_224 = arith.xori %select_n3A_219, %reduce_min3A_223 : vector<16xi32>
      %reduce_min3A_225 = tpu.scan <min>, %reduce_min3A_224 masked %reduce_min3A_221 : vector<16xi32>, vector<16xi1> -> vector<16xi32>
      %reduce_min3A_226 = arith.xori %reduce_min3A_225, %reduce_min3A_223 : vector<16xi32>
      %reduce_min3A_227 = vector.extract %reduce_min3A_226[15] : i32 from vector<16xi32>
      %mul3A_228 = arith.constant 16 : i32
      %mul3A_229 = arith.muli %reduce_min3A_210, %mul3A_228 : i32
      %add3A_230 = arith.addi %mul3A_229, %reduce_min3A_227 : i32
      %mul3A_231 = arith.constant 16 : i32
      %mul3A_232 = arith.muli %add3A_230, %mul3A_231 : i32
      %get3A_233 = arith.index_cast %mul3A_232 : i32 to index
      %get3A_234 = tpu.vector_load %arg6[%get3A_233] {strides = array<i32>} : memref<4096xf32, #tpu.memory_space<vmem>>, vector<16xf32>,
      %eq3A_235 = vector.broadcast %reduce_max3A_198 : f32 to vector<16xf32>
      %eq3A_236 = arith.cmpf oeq, %get3A_234, %eq3A_235 : vector<16xf32>
      %jit3A_237 = arith.constant 16 : i32
      %broadcast_in_dim3A_238 = vector.broadcast %jit3A_237 : i32 to vector<16xi32>
      %select_n3A_239 = arith.select %eq3A_236, %iota3A, %broadcast_in_dim3A_238 : vector<16xi1>, vector<16xi32>
      %reduce_min3A_240 = arith.constant true
      %reduce_min3A_241 = vector.broadcast %reduce_min3A_240 : i1 to vector<16xi1>
      %reduce_min3A_242 = arith.constant -2147483648 : i32
      %reduce_min3A_243 = vector.broadcast %reduce_min3A_242 : i32 to vector<16xi32>
      %reduce_min3A_244 = arith.xori %select_n3A_239, %reduce_min3A_243 : vector<16xi32>
      %reduce_min3A_245 = tpu.scan <min>, %reduce_min3A_244 masked %reduce_min3A_241 : vector<16xi32>, vector<16xi1> -> vector<16xi32>
      %reduce_min3A_246 = arith.xori %reduce_min3A_245, %reduce_min3A_243 : vector<16xi32>
      %reduce_min3A_247 = vector.extract %reduce_min3A_246[15] : i32 from vector<16xi32>
      %mul3A_248 = arith.constant 16 : i32
      %mul3A_249 = arith.muli %add3A_230, %mul3A_248 : i32
      %add3A_250 = arith.addi %mul3A_249, %reduce_min3A_247 : i32
      %broadcast_in_dim3A_251 = vector.broadcast %scan3A_192 : i32 to vector<16xi32>
      %broadcast_in_dim3A_252 = vector.broadcast %add3A_250 : i32 to vector<16xi32>
      tpu.vector_store_idx %arg9[%broadcast_in_dim3A_251], %broadcast_in_dim3A_252 masked %eq3A_34 : memref<64xi32, #tpu.memory_space<vmem>>[vector<16xi32>], vector<16xi32>, vector<16xi1>
      %broadcast_in_dim3A_253 = vector.broadcast %add3A_250 : i32 to vector<16xi32>
      %broadcast_in_dim3A_254 = arith.constant 1.000000e+00 : f32
      %broadcast_in_dim3A_255 = vector.broadcast %broadcast_in_dim3A_254 : f32 to vector<16xf32>
      tpu.vector_store_idx %arg10[%broadcast_in_dim3A_253], %broadcast_in_dim3A_255 masked %eq3A_34 : memref<4096xf32, #tpu.memory_space<vmem>>[vector<16xi32>], vector<16xf32>, vector<16xi1>
      %eq3A_256 = vector.broadcast %reduce_min3A_247 : i32 to vector<16xi32>
      %eq3A_257 = arith.cmpi eq, %iota3A, %eq3A_256 : vector<16xi32>
      %jit3A_258 = arith.constant 0xFF800000 : f32
      %broadcast_in_dim3A_259 = vector.broadcast %jit3A_258 : f32 to vector<16xf32>
      %select_n3A_260 = arith.select %eq3A_257, %broadcast_in_dim3A_259, %get3A_234 : vector<16xi1>, vector<16xf32>
      %mul3A_261 = arith.constant 16 : i32
      %mul3A_262 = arith.muli %add3A_230, %mul3A_261 : i32
      %swap3A = arith.index_cast %mul3A_262 : i32 to index
      %swap3A_263 = tpu.vector_load %arg6[%swap3A] {strides = array<i32>} : memref<4096xf32, #tpu.memory_space<vmem>>, vector<16xf32>,
      tpu.vector_store %arg6[%swap3A], %select_n3A_260 {strides = array<i32>} : memref<4096xf32, #tpu.memory_space<vmem>>, vector<16xf32>,
      %reduce_max3A_264 = arith.constant true
      %reduce_max3A_265 = vector.broadcast %reduce_max3A_264 : i1 to vector<16xi1>
      %reduce_max3A_266 = tpu.scan <max>, %select_n3A_260 masked %reduce_max3A_265 : vector<16xf32>, vector<16xi1> -> vector<16xf32>
      %reduce_max3A_267 = vector.extract %reduce_max3A_266[15] : f32 from vector<16xf32>
      %broadcast_in_dim3A_268 = vector.broadcast %add3A_230 : i32 to vector<16xi32>
      %broadcast_in_dim3A_269 = vector.broadcast %reduce_max3A_267 : f32 to vector<16xf32>
      tpu.vector_store_idx %arg7[%broadcast_in_dim3A_268], %broadcast_in_dim3A_269 masked %eq3A_34 : memref<256xf32, #tpu.memory_space<vmem>>[vector<16xi32>], vector<16xf32>, vector<16xi1>
      %eq3A_270 = vector.broadcast %reduce_min3A_227 : i32 to vector<16xi32>
      %eq3A_271 = arith.cmpi eq, %iota3A, %eq3A_270 : vector<16xi32>
      %broadcast_in_dim3A_272 = vector.broadcast %reduce_max3A_267 : f32 to vector<16xf32>
      %select_n3A_273 = arith.select %eq3A_271, %broadcast_in_dim3A_272, %get3A_214 : vector<16xi1>, vector<16xf32>
      %reduce_max3A_274 = arith.constant true
      %reduce_max3A_275 = vector.broadcast %reduce_max3A_274 : i1 to vector<16xi1>
      %reduce_max3A_276 = tpu.scan <max>, %select_n3A_273 masked %reduce_max3A_275 : vector<16xf32>, vector<16xi1> -> vector<16xf32>
      %reduce_max3A_277 = vector.extract %reduce_max3A_276[15] : f32 from vector<16xf32>
      %broadcast_in_dim3A_278 = vector.broadcast %reduce_min3A_210 : i32 to vector<16xi32>
      %broadcast_in_dim3A_279 = vector.broadcast %reduce_max3A_277 : f32 to vector<16xf32>
      tpu.vector_store_idx %arg8[%broadcast_in_dim3A_278], %broadcast_in_dim3A_279 masked %eq3A_34 : memref<16xf32, #tpu.memory_space<vmem>>[vector<16xi32>], vector<16xf32>, vector<16xi1>
      %scan3A_280 = arith.constant 0 : i32
      scf.yield %scan3A_280 : i32
    }
    %scan3A_136 = arith.constant 16 : i32
    %dma_wait3A_137 = arith.constant 16 : i32
    %dma_wait3A_138 = arith.constant 0 : i32
    %dma_wait3A_139 = tpu.memref_slice %arg5[%add3A, %select_n3A_30, %dma_wait3A_137, %dma_wait3A_138] : memref<4x8x64x2048xf32, #tpu.memory_space<hbm>> -> memref<1x1x16x2048xf32, #tpu.memory_space<hbm>>
    %dma_wait3A_140 = tpu.memref_squeeze %dma_wait3A_139 : memref<1x1x16x2048xf32, #tpu.memory_space<hbm>> -> memref<16x2048xf32, #tpu.memory_space<hbm>>
    %dma_wait3A_141 = arith.constant 16 : i32
    %dma_wait3A_142 = arith.constant 0 : i32
    %dma_wait3A_143 = tpu.memref_slice %arg5[%add3A, %select_n3A_30, %dma_wait3A_141, %dma_wait3A_142] : memref<4x8x64x2048xf32, #tpu.memory_space<hbm>> -> memref<1x1x16x2048xf32, #tpu.memory_space<hbm>>
    %dma_wait3A_144 = tpu.memref_squeeze %dma_wait3A_143 : memref<1x1x16x2048xf32, #tpu.memory_space<hbm>> -> memref<16x2048xf32, #tpu.memory_space<hbm>>
    tpu.wait_dma2 semaphore(%arg16 : memref<!tpu.dma_semaphore, #tpu.memory_space<semaphore_mem>>) src(%arg12 : memref<16x2048xf32, #tpu.memory_space<vmem>>) dst(%dma_wait3A_144 : memref<16x2048xf32, #tpu.memory_space<hbm>>)
    %get3A_145 = arith.constant 48 : index
    %get3A_146 = tpu.vector_load %arg9[%get3A_145] {strides = array<i32>} : memref<64xi32, #tpu.memory_space<vmem>>, vector<16xi32>,
    %mul3A_147 = arith.constant 4096 : i32
    %mul3A_148 = arith.muli %add3A, %mul3A_147 : i32
    %add3A_149 = vector.broadcast %mul3A_148 : i32 to vector<16xi32>
    %add3A_150 = arith.addi %get3A_146, %add3A_149 : vector<16xi32>
    %dma_start3A_151 = arith.constant 0 : i32
    %dma_start3A_152 = arith.constant 0 : i32
    %dma_start3A_153 = tpu.memref_slice %arg3[%dma_start3A_151, %dma_start3A_152] : memref<16384x2048xf32, #tpu.memory_space<hbm>> -> memref<16384x2048xf32, #tpu.memory_space<hbm>>
    tpu.enqueue_indirect_dma source(%dma_start3A_153 : memref<16384x2048xf32, #tpu.memory_space<hbm>>) target(%arg12 : memref<16x2048xf32, #tpu.memory_space<vmem>>) offsets(%add3A_150 : vector<16xi32>) semaphore(%arg14 : memref<!tpu.dma_semaphore, #tpu.memory_space<semaphore_mem>>)
    %dma_wait3A_154 = arith.constant 0 : i32
    %dma_wait3A_155 = arith.constant 0 : i32
    %dma_wait3A_156 = tpu.memref_slice %arg3[%dma_wait3A_154, %dma_wait3A_155] : memref<16384x2048xf32, #tpu.memory_space<hbm>> -> memref<16384x2048xf32, #tpu.memory_space<hbm>>
    tpu.wait_indirect_dma semaphore(%arg13 : memref<!tpu.dma_semaphore, #tpu.memory_space<semaphore_mem>>) src(%dma_wait3A_156 : memref<16384x2048xf32, #tpu.memory_space<hbm>>) dst(%arg11 : memref<16x2048xf32, #tpu.memory_space<vmem>>)
    %dma_start3A_157 = arith.constant 32 : i32
    %dma_start3A_158 = arith.constant 0 : i32
    %dma_start3A_159 = tpu.memref_slice %arg5[%add3A, %select_n3A_30, %dma_start3A_157, %dma_start3A_158] : memref<4x8x64x2048xf32, #tpu.memory_space<hbm>> -> memref<1x1x16x2048xf32, #tpu.memory_space<hbm>>
    %dma_start3A_160 = tpu.memref_squeeze %dma_start3A_159 : memref<1x1x16x2048xf32, #tpu.memory_space<hbm>> -> memref<16x2048xf32, #tpu.memory_space<hbm>>
    %dma_start3A_161 = arith.constant 32 : i32
    %dma_start3A_162 = arith.constant 0 : i32
    %dma_start3A_163 = tpu.memref_slice %arg5[%add3A, %select_n3A_30, %dma_start3A_161, %dma_start3A_162] : memref<4x8x64x2048xf32, #tpu.memory_space<hbm>> -> memref<1x1x16x2048xf32, #tpu.memory_space<hbm>>
    %dma_start3A_164 = tpu.memref_squeeze %dma_start3A_163 : memref<1x1x16x2048xf32, #tpu.memory_space<hbm>> -> memref<16x2048xf32, #tpu.memory_space<hbm>>
    tpu.enqueue_dma source(%arg11 : memref<16x2048xf32, #tpu.memory_space<vmem>>) target(%dma_start3A_164 : memref<16x2048xf32, #tpu.memory_space<hbm>>) target_semaphore(%arg15 : memref<!tpu.dma_semaphore, #tpu.memory_space<semaphore_mem>>)
    "tpu.region"() ({
      %run_scoped3A = tpu.sem_alloc : memref<!tpu.dma_semaphore, #tpu.memory_space<semaphore_mem>>
      %dma_start3A_192 = arith.constant 0 : i32
      %dma_start3A_193 = tpu.memref_slice %arg4[%add3A, %select_n3A_30, %dma_start3A_192] : memref<4x8x4096xf32, #tpu.memory_space<hbm>> -> memref<1x1x4096xf32, #tpu.memory_space<hbm>>
      %dma_start3A_194 = tpu.memref_squeeze %dma_start3A_193 : memref<1x1x4096xf32, #tpu.memory_space<hbm>> -> memref<4096xf32, #tpu.memory_space<hbm>>
      %dma_start3A_195 = arith.constant 0 : i32
      %dma_start3A_196 = tpu.memref_slice %arg4[%add3A, %select_n3A_30, %dma_start3A_195] : memref<4x8x4096xf32, #tpu.memory_space<hbm>> -> memref<1x1x4096xf32, #tpu.memory_space<hbm>>
      %dma_start3A_197 = tpu.memref_squeeze %dma_start3A_196 : memref<1x1x4096xf32, #tpu.memory_space<hbm>> -> memref<4096xf32, #tpu.memory_space<hbm>>
      tpu.enqueue_dma source(%arg10 : memref<4096xf32, #tpu.memory_space<vmem>>) target(%dma_start3A_197 : memref<4096xf32, #tpu.memory_space<hbm>>) target_semaphore(%run_scoped3A : memref<!tpu.dma_semaphore, #tpu.memory_space<semaphore_mem>>)
      %dma_wait3A_198 = arith.constant 0 : i32
      %dma_wait3A_199 = tpu.memref_slice %arg4[%add3A, %select_n3A_30, %dma_wait3A_198] : memref<4x8x4096xf32, #tpu.memory_space<hbm>> -> memref<1x1x4096xf32, #tpu.memory_space<hbm>>
      %dma_wait3A_200 = tpu.memref_squeeze %dma_wait3A_199 : memref<1x1x4096xf32, #tpu.memory_space<hbm>> -> memref<4096xf32, #tpu.memory_space<hbm>>
      %dma_wait3A_201 = arith.constant 0 : i32
      %dma_wait3A_202 = tpu.memref_slice %arg4[%add3A, %select_n3A_30, %dma_wait3A_201] : memref<4x8x4096xf32, #tpu.memory_space<hbm>> -> memref<1x1x4096xf32, #tpu.memory_space<hbm>>
      %dma_wait3A_203 = tpu.memref_squeeze %dma_wait3A_202 : memref<1x1x4096xf32, #tpu.memory_space<hbm>> -> memref<4096xf32, #tpu.memory_space<hbm>>
      tpu.wait_dma2 semaphore(%run_scoped3A : memref<!tpu.dma_semaphore, #tpu.memory_space<semaphore_mem>>) src(%arg10 : memref<4096xf32, #tpu.memory_space<vmem>>) dst(%dma_wait3A_203 : memref<4096xf32, #tpu.memory_space<hbm>>)
      tpu.yield
    }) : () -> ()
    %dma_wait3A_165 = arith.constant 0 : i32
    %dma_wait3A_166 = arith.constant 0 : i32
    %dma_wait3A_167 = tpu.memref_slice %arg3[%dma_wait3A_165, %dma_wait3A_166] : memref<16384x2048xf32, #tpu.memory_space<hbm>> -> memref<16384x2048xf32, #tpu.memory_space<hbm>>
    tpu.wait_indirect_dma semaphore(%arg14 : memref<!tpu.dma_semaphore, #tpu.memory_space<semaphore_mem>>) src(%dma_wait3A_167 : memref<16384x2048xf32, #tpu.memory_space<hbm>>) dst(%arg12 : memref<16x2048xf32, #tpu.memory_space<vmem>>)
    %dma_start3A_168 = arith.constant 48 : i32
    %dma_start3A_169 = arith.constant 0 : i32
    %dma_start3A_170 = tpu.memref_slice %arg5[%add3A, %select_n3A_30, %dma_start3A_168, %dma_start3A_169] : memref<4x8x64x2048xf32, #tpu.memory_space<hbm>> -> memref<1x1x16x2048xf32, #tpu.memory_space<hbm>>
    %dma_start3A_171 = tpu.memref_squeeze %dma_start3A_170 : memref<1x1x16x2048xf32, #tpu.memory_space<hbm>> -> memref<16x2048xf32, #tpu.memory_space<hbm>>
    %dma_start3A_172 = arith.constant 48 : i32
    %dma_start3A_173 = arith.constant 0 : i32
    %dma_start3A_174 = tpu.memref_slice %arg5[%add3A, %select_n3A_30, %dma_start3A_172, %dma_start3A_173] : memref<4x8x64x2048xf32, #tpu.memory_space<hbm>> -> memref<1x1x16x2048xf32, #tpu.memory_space<hbm>>
    %dma_start3A_175 = tpu.memref_squeeze %dma_start3A_174 : memref<1x1x16x2048xf32, #tpu.memory_space<hbm>> -> memref<16x2048xf32, #tpu.memory_space<hbm>>
    tpu.enqueue_dma source(%arg12 : memref<16x2048xf32, #tpu.memory_space<vmem>>) target(%dma_start3A_175 : memref<16x2048xf32, #tpu.memory_space<hbm>>) target_semaphore(%arg16 : memref<!tpu.dma_semaphore, #tpu.memory_space<semaphore_mem>>)
    %dma_wait3A_176 = arith.constant 32 : i32
    %dma_wait3A_177 = arith.constant 0 : i32
    %dma_wait3A_178 = tpu.memref_slice %arg5[%add3A, %select_n3A_30, %dma_wait3A_176, %dma_wait3A_177] : memref<4x8x64x2048xf32, #tpu.memory_space<hbm>> -> memref<1x1x16x2048xf32, #tpu.memory_space<hbm>>
    %dma_wait3A_179 = tpu.memref_squeeze %dma_wait3A_178 : memref<1x1x16x2048xf32, #tpu.memory_space<hbm>> -> memref<16x2048xf32, #tpu.memory_space<hbm>>
    %dma_wait3A_180 = arith.constant 32 : i32
    %dma_wait3A_181 = arith.constant 0 : i32
    %dma_wait3A_182 = tpu.memref_slice %arg5[%add3A, %select_n3A_30, %dma_wait3A_180, %dma_wait3A_181] : memref<4x8x64x2048xf32, #tpu.memory_space<hbm>> -> memref<1x1x16x2048xf32, #tpu.memory_space<hbm>>
    %dma_wait3A_183 = tpu.memref_squeeze %dma_wait3A_182 : memref<1x1x16x2048xf32, #tpu.memory_space<hbm>> -> memref<16x2048xf32, #tpu.memory_space<hbm>>
    tpu.wait_dma2 semaphore(%arg15 : memref<!tpu.dma_semaphore, #tpu.memory_space<semaphore_mem>>) src(%arg11 : memref<16x2048xf32, #tpu.memory_space<vmem>>) dst(%dma_wait3A_183 : memref<16x2048xf32, #tpu.memory_space<hbm>>)
    %dma_wait3A_184 = arith.constant 48 : i32
    %dma_wait3A_185 = arith.constant 0 : i32
    %dma_wait3A_186 = tpu.memref_slice %arg5[%add3A, %select_n3A_30, %dma_wait3A_184, %dma_wait3A_185] : memref<4x8x64x2048xf32, #tpu.memory_space<hbm>> -> memref<1x1x16x2048xf32, #tpu.memory_space<hbm>>
    %dma_wait3A_187 = tpu.memref_squeeze %dma_wait3A_186 : memref<1x1x16x2048xf32, #tpu.memory_space<hbm>> -> memref<16x2048xf32, #tpu.memory_space<hbm>>
    %dma_wait3A_188 = arith.constant 48 : i32
    %dma_wait3A_189 = arith.constant 0 : i32
    %dma_wait3A_190 = tpu.memref_slice %arg5[%add3A, %select_n3A_30, %dma_wait3A_188, %dma_wait3A_189] : memref<4x8x64x2048xf32, #tpu.memory_space<hbm>> -> memref<1x1x16x2048xf32, #tpu.memory_space<hbm>>
    %dma_wait3A_191 = tpu.memref_squeeze %dma_wait3A_190 : memref<1x1x16x2048xf32, #tpu.memory_space<hbm>> -> memref<16x2048xf32, #tpu.memory_space<hbm>>
    tpu.wait_dma2 semaphore(%arg16 : memref<!tpu.dma_semaphore, #tpu.memory_space<semaphore_mem>>) src(%arg12 : memref<16x2048xf32, #tpu.memory_space<vmem>>) dst(%dma_wait3A_191 : memref<16x2048xf32, #tpu.memory_space<hbm>>)
    return
  }
}

module attributes {stable_mosaic.version = 14 : i64} {
  func.func @_gate_kernel(%arg0: i32, %arg1: i32, %arg2: memref<1x1024x2048xf32, #tpu.memory_space<vmem>>, %arg3: memref<8x2048xf32, #tpu.memory_space<vmem>>, %arg4: memref<1x8x1024xf32, #tpu.memory_space<vmem>>) attributes {dimension_semantics = [#tpu.dimension_semantics<arbitrary>, #tpu.dimension_semantics<arbitrary>], iteration_bounds = array<i64: 4, 4>, scalar_prefetch = 0 : i64, scratch_operands = 0 : i64, tpu.core_type = #tpu.core_type<tc>, window_params = [{transform_indices = @transform_0, window_bounds = array<i64: 1, 1024, 2048>}, {pipeline_mode = #tpu.pipeline_mode<synchronous>, transform_indices = @transform_1, window_bounds = array<i64: 8, 2048>}, {transform_indices = @transform_2, window_bounds = array<i64: 1, 8, 1024>}]} {
    %get3A = arith.constant 0 : index
    %get3A_0 = arith.constant 0 : index
    %get3A_1 = vector.load %arg3[%get3A, %get3A_0] : memref<8x2048xf32, #tpu.memory_space<vmem>>, vector<8x2048xf32>
    %get3A_2 = arith.constant 0 : index
    %get3A_3 = arith.constant 0 : index
    %get3A_4 = arith.constant 0 : index
    %get3A_5 = vector.load %arg2[%get3A_2, %get3A_3, %get3A_4] : memref<1x1024x2048xf32, #tpu.memory_space<vmem>>, vector<1x1024x2048xf32>
    %get3A_6 = vector.shape_cast %get3A_5 : vector<1x1024x2048xf32> to vector<1024x2048xf32>
    %dot_general3A = arith.constant dense<0.000000e+00> : vector<8x1024xf32>
    %dot_general3A_7 = tpu.matmul %get3A_1, %get3A_6, %dot_general3A {dimension_numbers = #tpu.dot_dimension_numbers<[1], [1], [0], [0], [0, 0, 1, 0], [], []>, transpose_lhs_hint = false} : vector<8x2048xf32>, vector<1024x2048xf32>, vector<8x1024xf32> -> vector<8x1024xf32>
    %swap3A = arith.constant 0 : index
    %swap3A_8 = arith.constant 0 : index
    %swap3A_9 = arith.constant 0 : index
    %swap3A_10 = vector.load %arg4[%swap3A, %swap3A_8, %swap3A_9] : memref<1x8x1024xf32, #tpu.memory_space<vmem>>, vector<1x8x1024xf32>
    %swap3A_11 = vector.shape_cast %swap3A_10 : vector<1x8x1024xf32> to vector<8x1024xf32>
    %swap3A_12 = vector.shape_cast %dot_general3A_7 : vector<8x1024xf32> to vector<1x8x1024xf32>
    tpu.vector_store %arg4[%swap3A, %swap3A_8, %swap3A_9], %swap3A_12 {strides = array<i32>} : memref<1x8x1024xf32, #tpu.memory_space<vmem>>, vector<1x8x1024xf32>,
    return
  }
  func.func @transform_0(%arg0: i32, %arg1: i32) -> (i32, i32, i32) {
    %c0_i32 = arith.constant 0 : i32
    %c0_i32_0 = arith.constant 0 : i32
    return %arg0, %arg1, %c0_i32 : i32, i32, i32
  }
  func.func @transform_1(%arg0: i32, %arg1: i32) -> (i32, i32) {
    %c0_i32 = arith.constant 0 : i32
    %c0_i32_0 = arith.constant 0 : i32
    %c0_i32_1 = arith.constant 0 : i32
    return %c0_i32, %c0_i32_0 : i32, i32
  }
  func.func @transform_2(%arg0: i32, %arg1: i32) -> (i32, i32, i32) {
    %c0_i32 = arith.constant 0 : i32
    %c0_i32_0 = arith.constant 0 : i32
    return %arg0, %c0_i32, %arg1 : i32, i32, i32
  }
}

module attributes {stable_mosaic.version = 14 : i64} {
  func.func @_proj_kernel(%arg0: i32, %arg1: i32, %arg2: memref<1x1x64x2048xf32, #tpu.memory_space<vmem>>, %arg3: memref<1x128x2048xf32, #tpu.memory_space<vmem>>, %arg4: memref<1x8x4096xf32, #tpu.memory_space<vmem>>, %arg5: memref<1x64x128xf32, #tpu.memory_space<vmem>>, %arg6: memref<1x1x4096xf32, #tpu.memory_space<vmem>>) attributes {dimension_semantics = [#tpu.dimension_semantics<arbitrary>, #tpu.dimension_semantics<arbitrary>], iteration_bounds = array<i64: 8, 4>, scalar_prefetch = 0 : i64, scratch_operands = 0 : i64, tpu.core_type = #tpu.core_type<tc>, window_params = [{transform_indices = @transform_0, window_bounds = array<i64: 1, 1, 64, 2048>}, {transform_indices = @transform_1, window_bounds = array<i64: 1, 128, 2048>}, {transform_indices = @transform_2, window_bounds = array<i64: 1, 8, 4096>}, {transform_indices = @transform_3, window_bounds = array<i64: 1, 64, 128>}, {transform_indices = @transform_4, window_bounds = array<i64: 1, 1, 4096>}]} {
    %get3A = arith.constant 0 : index
    %get3A_0 = arith.constant 0 : index
    %get3A_1 = arith.constant 0 : index
    %get3A_2 = arith.constant 0 : index
    %get3A_3 = vector.load %arg2[%get3A, %get3A_0, %get3A_1, %get3A_2] : memref<1x1x64x2048xf32, #tpu.memory_space<vmem>>, vector<1x1x64x2048xf32>
    %get3A_4 = vector.shape_cast %get3A_3 : vector<1x1x64x2048xf32> to vector<64x2048xf32>
    %get3A_5 = arith.constant 0 : index
    %get3A_6 = arith.constant 0 : index
    %get3A_7 = arith.constant 0 : index
    %get3A_8 = vector.load %arg3[%get3A_5, %get3A_6, %get3A_7] : memref<1x128x2048xf32, #tpu.memory_space<vmem>>, vector<1x128x2048xf32>
    %get3A_9 = vector.shape_cast %get3A_8 : vector<1x128x2048xf32> to vector<128x2048xf32>
    %dot_general3A = arith.constant dense<0.000000e+00> : vector<64x128xf32>
    %dot_general3A_10 = tpu.matmul %get3A_4, %get3A_9, %dot_general3A {dimension_numbers = #tpu.dot_dimension_numbers<[1], [1], [0], [0], [0, 0, 1, 0], [], []>, transpose_lhs_hint = false} : vector<64x2048xf32>, vector<128x2048xf32>, vector<64x128xf32> -> vector<64x128xf32>
    %swap3A = arith.constant 0 : index
    %swap3A_11 = arith.constant 0 : index
    %swap3A_12 = arith.constant 0 : index
    %swap3A_13 = vector.load %arg5[%swap3A, %swap3A_11, %swap3A_12] : memref<1x64x128xf32, #tpu.memory_space<vmem>>, vector<1x64x128xf32>
    %swap3A_14 = vector.shape_cast %swap3A_13 : vector<1x64x128xf32> to vector<64x128xf32>
    %swap3A_15 = vector.shape_cast %dot_general3A_10 : vector<64x128xf32> to vector<1x64x128xf32>
    tpu.vector_store %arg5[%swap3A, %swap3A_11, %swap3A_12], %swap3A_15 {strides = array<i32>} : memref<1x64x128xf32, #tpu.memory_space<vmem>>, vector<1x64x128xf32>,
    %get3A_16 = arith.constant 0 : index
    %get3A_17 = arith.constant 0 : index
    %get3A_18 = arith.constant 0 : index
    %get3A_19 = vector.load %arg4[%get3A_16, %get3A_17, %get3A_18] : memref<1x8x4096xf32, #tpu.memory_space<vmem>>, vector<1x8x4096xf32>
    %get3A_20 = vector.shape_cast %get3A_19 : vector<1x8x4096xf32> to vector<8x4096xf32>
    %reduce_max3A = arith.constant dense<0xFF800000> : vector<4096xf32>
    %reduce_max3A_21 = vector.multi_reduction <maximumf>, %get3A_20, %reduce_max3A [0] : vector<8x4096xf32> to vector<4096xf32>
    %broadcast_in_dim3A = vector.shape_cast %reduce_max3A_21 : vector<4096xf32> to vector<1x4096xf32>
    %swap3A_22 = arith.constant 0 : index
    %swap3A_23 = arith.constant 0 : index
    %swap3A_24 = arith.constant 0 : index
    %swap3A_25 = vector.load %arg6[%swap3A_22, %swap3A_23, %swap3A_24] : memref<1x1x4096xf32, #tpu.memory_space<vmem>>, vector<1x1x4096xf32>
    %swap3A_26 = vector.shape_cast %swap3A_25 : vector<1x1x4096xf32> to vector<1x4096xf32>
    %swap3A_27 = vector.shape_cast %broadcast_in_dim3A : vector<1x4096xf32> to vector<1x1x4096xf32>
    tpu.vector_store %arg6[%swap3A_22, %swap3A_23, %swap3A_24], %swap3A_27 {strides = array<i32>} : memref<1x1x4096xf32, #tpu.memory_space<vmem>>, vector<1x1x4096xf32>,
    return
  }
  func.func @transform_0(%arg0: i32, %arg1: i32) -> (i32, i32, i32, i32) {
    %c0_i32 = arith.constant 0 : i32
    %c0_i32_0 = arith.constant 0 : i32
    %c0_i32_1 = arith.constant 0 : i32
    return %arg1, %arg0, %c0_i32, %c0_i32_0 : i32, i32, i32, i32
  }
  func.func @transform_1(%arg0: i32, %arg1: i32) -> (i32, i32, i32) {
    %c0_i32 = arith.constant 0 : i32
    %c0_i32_0 = arith.constant 0 : i32
    %c0_i32_1 = arith.constant 0 : i32
    return %arg0, %c0_i32, %c0_i32_0 : i32, i32, i32
  }
  func.func @transform_2(%arg0: i32, %arg1: i32) -> (i32, i32, i32) {
    %c0_i32 = arith.constant 0 : i32
    %c0_i32_0 = arith.constant 0 : i32
    %c0_i32_1 = arith.constant 0 : i32
    return %arg1, %c0_i32, %c0_i32_0 : i32, i32, i32
  }
  func.func @transform_3(%arg0: i32, %arg1: i32) -> (i32, i32, i32) {
    %c0_i32 = arith.constant 0 : i32
    %c0_i32_0 = arith.constant 0 : i32
    return %arg1, %arg0, %c0_i32 : i32, i32, i32
  }
  func.func @transform_4(%arg0: i32, %arg1: i32) -> (i32, i32, i32) {
    %c0_i32 = arith.constant 0 : i32
    %c0_i32_0 = arith.constant 0 : i32
    %c0_i32_1 = arith.constant 0 : i32
    return %arg1, %c0_i32, %c0_i32_0 : i32, i32, i32
  }
}

</mosaic_0001>

<sc_bundles>
// kernel: kernel.5.cloned.1.call-start
scs
__scs_entry_jumppad:
0x0: {  	(pc) =	sbr.rel $0x88, $3  }
0x1: {  	(tag) =	ssettag $0x0;
	lr =	simm.s32 $0x1  }
0x2: {  	[smem:$0x3F9E] =	sst lr;
	_ =	strace $0xD0000000  }
0x3: {  	_ = 	snop  }
0x4: {  	_ = 	snop  }
0x5: {  	_ = 	snop  }
0x6: {  	_ = 	snop  }
0x7: {  	_ = 	snop  }
__scs_overlays_trampoline_lowered:
0x8: {  	[smem:$0x3FAD] =	sst s0  }
0x9: {  	[smem:$0x3FAE] =	sst s1  }
0xa: {  	[smem:$0x3FAF] =	sst s2  }
0xb: {  	[smem:$0x3FB0] =	sst s3  }
0xc: {  	[smem:$0x3FB1] =	sst s4  }
0xd: {  	[smem:$0x3FB2] =	sst s5  }
0xe: {  	[smem:$0x3FB3] =	sst s6  }
0xf: {  	[smem:$0x3FB4] =	sst s7  }
0x10: {  	[smem:$0x3FB5] =	sst s8  }
0x11: {  	[smem:$0x3FB6] =	sst s9;
	s0 =	simm.s32 @!p0 $0x0  }
0x12: {  	s1 =	sld [smem:$0x3F9C];
	s0 =	simm.s32 @p0 $0x1  }
0x13: {  	[smem:$0x3FB7] =	sst s0;
	s0 =	simm.s32 @!p1 $0x0  }
0x14: {  	s2 =	sld [smem:$0x3F9B];
	s0 =	simm.s32 @p1 $0x1  }
0x15: {  	[smem:$0x3FB8] =	sst s0;
	s0 =	simm.s32 @!p2 $0x0  }
0x16: {  	s3 =	sld [smem:$0x3FDB];
	s0 =	simm.s32 @p2 $0x1  }
0x17: {  	s4 =	simm.s32 $0x1BF5;
	[smem:$0x3FBA] =	sst s0  }
0x18: {  	s0 =	sld [smem:$0x3F9D];
	_ =	swait.ge [sflag:s4], $0x0  }
0x19: {  	s7 =	sld [smem:$0x3F9E]  }
0x1a: {  	s8 =	sadd.s32 $0xFFFFE003, lr  }
0x1b: {  	s9 =	sadd.s32 $0xFFFFFEF7, lr;
	s5 =	simm.s32 $0xFFFFFFFF;
	p2 =	slt.u32 s8, $0xFFFFF086  }
0x1c: {  	p1 =	slt.u32 s9, $0xF7A;
	s5 =	simm.s32 @!p2 $0x0  }
0x1d: {  	s5 =	simm.s32 @p1 $0x1;
	p0 =	seq.s32 s7, s2  }
0x1e: {  	s7 =	smul.u32 @!p0 $0xF7A, s2;
	p2 =	seq.s32 @!p0 s5, $0x0  }
0x1f: {  	s9 =	smul.u32 $0xF7A, s1;
	s8 =	simm.s32 @!p0 $0x1BF5;
	p2 =	por !p2, p0  }
0x20: {  	[sflag:s8] =	ssyncset.s32 @!p0 $0xFFFFF086;
	s6 =	sadd.s32 @!p0 s3, s7;
	s7 =	simm.s32 @!p0 $0x108  }
0x21: {  	s3 =	sadd.s32 s3, s9;
	s6 =	sadd.s32 @!p0 $0x88, s6;
	s7 =	simm.s32 @p2 $0x1082  }
0x22: {  	[simem:s7], [sflag:s8] =	dma.local @!p0 [hbm:s6], $0xF7A  }
0x23: {  	s9 =	sor.u32 $0xD0000000, s2;
	s6 =	simm.s32 $0x108;
	_ =	swait.ge @!p0 [sflag:s8], $0x0  }
0x24: {  	s3 =	sadd.s32 $0x88, s3;
	s6 =	simm.s32 @!p1 $0x1082;
	[sflag:s4] =	ssyncset.s32 $0xFFFFF086  }
0x25: {  	[simem:s6], [sflag:s4] =	dma.local [hbm:s3], $0xF7A  }
0x26: {  	[smem:$0x3F9E] =	sst s1;
	(tag) =	ssettag s2;
	_ =	strace s9  }
0x27: {  	s1 =	sld [smem:$0x3FAE]  }
0x28: {  	s2 =	sld [smem:$0x3FAF]  }
0x29: {  	s4 =	sld [smem:$0x3FB1]  }
0x2a: {  	p0 =	seq.s32 s5, $0x0;
	s5 =	sld [smem:$0x3FB2]  }
0x2b: {  	s6 =	sld [smem:$0x3FB3]  }
0x2c: {  	s7 =	sld [smem:$0x3FB4]  }
0x2d: {  	s3 =	simm.s32 $0x108;
	s8 =	sld [smem:$0x3FB5]  }
0x2e: {  	s3 =	simm.s32 @!p0 $0x1082;
	s9 =	sld [smem:$0x3FB6]  }
0x2f: {  	lr =	sadd.s32 s0, s3;
	s0 =	sld [smem:$0x3FAD]  }
0x30: {  	s3 =	sld [smem:$0x3FB0]  }
0x31: {  	[smem:$0x3FB9] =	sst s10  }
0x32: {  	s10 =	sld [smem:$0x3FB7];
	_ =	sdelay $0x3  }
0x33: {  	p0 =	seq.s32 s10, $0x1;
	s10 =	sld [smem:$0x3FB9];
	_ =	sdelay $0x3  }
0x34: {  	[smem:$0x3FB9] =	sst s10  }
0x35: {  	s10 =	sld [smem:$0x3FB8];
	_ =	sdelay $0x3  }
0x36: {  	p1 =	seq.s32 s10, $0x1;
	s10 =	sld [smem:$0x3FB9];
	_ =	sdelay $0x3  }
0x37: {  	[smem:$0x3FB9] =	sst s10  }
0x38: {  	s10 =	sld [smem:$0x3FBA]  }
0x39: {  	_ = 	snop;
	(pc) =	sbr.ind lr, $3  }
0x3a: {  	_ = 	snop  }
0x3b: {  	_ = 	snop  }
0x3c: {  	p2 =	seq.s32 s10, $0x1;
	s10 =	sld [smem:$0x3FB9]  }
0x3d: {  	_ =	shalt  }
0x3e: {  	_ =	shalt  }
0x3f: {  	_ =	shalt  }
0x40: {  	_ =	shalt  }
0x41: {  	_ =	shalt  }
0x42: {  	_ =	shalt  }
0x43: {  	_ =	shalt  }
0x44: {  	_ =	shalt  }
0x45: {  	_ =	shalt  }
0x46: {  	_ =	shalt  }
0x47: {  	_ =	shalt  }
0x48: {  	_ =	shalt  }
0x49: {  	_ =	shalt  }
0x4a: {  	_ =	shalt  }
0x4b: {  	_ =	shalt  }
0x4c: {  	_ =	shalt  }
0x4d: {  	_ =	shalt  }
0x4e: {  	_ =	shalt  }
0x4f: {  	_ =	shalt  }
0x50: {  	_ =	shalt  }
0x51: {  	_ =	shalt  }
0x52: {  	_ =	shalt  }
0x53: {  	_ =	shalt  }
0x54: {  	_ =	shalt  }
0x55: {  	_ =	shalt  }
0x56: {  	_ =	shalt  }
0x57: {  	_ =	shalt  }
0x58: {  	_ =	shalt  }
0x59: {  	_ =	shalt  }
0x5a: {  	_ =	shalt  }
0x5b: {  	_ =	shalt  }
0x5c: {  	_ =	shalt  }
0x5d: {  	_ =	shalt  }
0x5e: {  	_ =	shalt  }
0x5f: {  	_ =	shalt  }
0x60: {  	_ =	shalt  }
0x61: {  	_ =	shalt  }
0x62: {  	_ =	shalt  }
0x63: {  	_ =	shalt  }
0x64: {  	_ =	shalt  }
0x65: {  	_ =	shalt  }
0x66: {  	_ =	shalt  }
0x67: {  	_ =	shalt  }
0x68: {  	_ =	shalt  }
0x69: {  	_ =	shalt  }
0x6a: {  	_ =	shalt  }
0x6b: {  	_ =	shalt  }
0x6c: {  	_ =	shalt  }
0x6d: {  	_ =	shalt  }
0x6e: {  	_ =	shalt  }
0x6f: {  	_ =	shalt  }
0x70: {  	_ =	shalt  }
0x71: {  	_ =	shalt  }
0x72: {  	_ =	shalt  }
0x73: {  	_ =	shalt  }
0x74: {  	_ =	shalt  }
0x75: {  	_ =	shalt  }
0x76: {  	_ =	shalt  }
0x77: {  	_ =	shalt  }
0x78: {  	_ =	shalt  }
0x79: {  	_ =	shalt  }
0x7a: {  	_ =	shalt  }
0x7b: {  	_ =	shalt  }
0x7c: {  	_ =	shalt  }
0x7d: {  	_ =	shalt  }
0x7e: {  	_ =	shalt  }
0x7f: {  	_ =	shalt  }
0x80: {  	_ =	shalt  }
0x81: {  	_ =	shalt  }
0x82: {  	_ =	shalt  }
0x83: {  	_ =	shalt  }
0x84: {  	_ =	shalt  }
0x85: {  	_ =	shalt  }
0x86: {  	_ =	shalt  }
0x87: {  	_ =	shalt  }
.Lfunc_end0:
.L_simem_size_0:
called_computation_lowered:
.L_overlay_start_0:
0x88: {  	s2 =	sld [smem:$0x3FD9]  }
0x89: {  	s3 =	sld [smem:$0x3FFE];
	_ =	sdelay $0x1  }
0x8a: {  	s1 =	srdreg.scid  }
0x8b: {  	s0 =	sand.u32 $0x1, s1  }
0x8c: {  	s14 =	sshll.u32 s0, $0xA;
	s2 =	sadd.s32 s3, s2  }
0x8d: {  	s2 =	sadd.s32 s2, s14  }
0x8e: {  	[smem:$0x3FC5] =	sst s2  }
0x8f: {  	_ = 	snop  }
0x90: {  	s2 =	sld [smem:$0x3FD0];
	_ =	sdelay $0x2  }
0x91: {  	s4 =	simm.s32 $0xA;
	s5 =	simm.s32 $0x10;
	s15 =	sld [smem:$0x3FC9]  }
0x92: {  	[smem:s5], [sflag:s4] =	dma.local [hbm:s2], $0x1  }
0x93: {  	_ =	swait.eq [sflag:s4], $0x1  }
0x94: {  	[sflag:s4] =	ssyncset.done $0x0  }
0x95: {  	[sflag:s4] =	ssyncadd.s32 $0xFFFFFFFF  }
0x96: {  	s16 =	sld [smem:$0x10];
	(tm) =	ssettm $0x1  }
0x97: {  	s17 =	sld [smem:$0x3FFB];
	_ =	sdelay $0x3  }
0x98: {  	_ =	strace s17  }
0x99: {  	s4 =	sld [smem:$0x3FFC];
	_ =	sdelay $0x3  }
0x9a: {  	_ =	strace s4  }
0x9b: {  	s4 =	sld [smem:$0x3FFD];
	_ =	sdelay $0x3  }
0x9c: {  	_ =	strace s4  }
0x9d: {  	_ =	strace $0x8FFFFFFF  }
0x9e: {  	s18 =	sld [smem:$0x3FDB];
	_ =	sdelay $0x1  }
0x9f: {  	s19 =	simm.s32 $_scs_section_size  }
0xa0: {  	s6 =	simm.s32 $_size__tile_overlayer_lowered;
	s7 =	simm.s32 $_tile_overlayer_lowered  }
0xa1: {  	s22 =	simm.s32 $0x1BFF;
	s21 =	sshll.u32 s7, $0x1;
	s4 =	sadd.s32 s19, s18  }
0xa2: {  	s8 =	simm.s32 $0x0;
	s20 =	sshll.u32 s6, $0x1;
	s6 =	sadd.s32 s21, s4  }
0xa3: {  	[timem:s8], [sflag:s22] =	dma.local [hbm:s6], s20  }
0xa4: {  	_ =	swait.ge [sflag:s22], s20  }
0xa5: {  	s5 =	ssub.s32 $0x0, s20;
	[sflag:s22] =	ssyncset.done $0x0  }
0xa6: {  	[sflag:s22] =	ssyncadd.s32 s5;
	_ =	sdelay $0x1  }
0xa7: {  	s23 =	simm.s32 $0x1B8B  }
0xa8: {  	_ =	swait.ge [sflag:s23], $0x1  }
0xa9: {  	[sflag:s23] =	ssyncset.done $0x0  }
0xaa: {  	s25 =	simm.s32 $0x1B8E;
	s24 =	sld [smem:$0x3FFE];
	[sflag:s23] =	ssyncadd.s32 $0xFFFFFFFF  }
0xab: {  	s26 =	simm.s32 $execute0_lowered;
	[smem:$0x3FD2] =	sst s25  }
0xac: {  	s6 =	sshll.u32 s26, $0x1;
	_ =	strace $0x80000046;
	[dreg:$0x1] =	wrdreg $0xFFFFFFFF  }
0xad: {  	s28 =	simm.s32 $_size_execute0_lowered;
	s4 =	sadd.s32 s4, s6;
	[dreg:$0x0] =	wrdreg $0x0  }
0xae: {  	s6 =	sshll.u32 s28, $0x1;
	[dreg:$0x2] =	wrdreg s4  }
0xaf: {  	[dreg:$0x3] =	wrdreg s6  }
0xb0: {  	[dreg:$0x4] =	wrdreg $0xC0  }
0xb1: {  	_ =	task [dreg:s8], $0x5FFFF  }
0xb2: {  	[dreg:$0x1] =	wrdreg $0xFFFFFFFF  }
0xb3: {  	[dreg:$0x0] =	wrdreg $0x60  }
0xb4: {  	[dreg:$0x2] =	wrdreg s16  }
0xb5: {  	[dreg:$0x3] =	wrdreg s15  }
0xb6: {  	[dreg:$0x4] =	wrdreg s24  }
0xb7: {  	[dreg:$0x5] =	wrdreg $0x9  }
0xb8: {  	_ =	task.clear_ibuf [dreg:s8], $0x6FFFF;
	_ =	strace $0x90000046  }
0xb9: {  	s29 =	simm.s32 $0x9;
	_ =	strace $0x80000048  }
0xba: {  	_ =	swait.ge [sflag:s29], $0x1  }
0xbb: {  	[sflag:s29] =	ssyncadd.s32 $0xFFFFFFFF  }
0xbc: {  	_ =	strace $0x90000048  }
0xbd: {  	_ =	sfence  }
0xbe: {  	s30 =	sld [smem:$0x0];
	_ =	sdelay $0x2  }
0xbf: {  	s31 =	sshll.u32 s1, $0xD;
	s1 =	sshrl.u32 s1, $0x2  }
0xc0: {  	s3 =	sand.u32 $0x4000, s31;
	s1 =	sadd.s32 s1, s30  }
0xc1: {  	s0 =	sor.u32 s3, s0;
	s1 =	sshll.u32 s1, $0x11  }
0xc2: {  	s0 =	sor.u32 s1, s0  }
0xc3: {  	s0 =	sadd.s32 $0x8F2B, s0  }
0xc4: {  	[sflag:s0] =	ssyncadd.remote.s32 $0x1  }
0xc5: {  	_ =	sfence.sel $0xFFFF  }
0xc6: {  	[dreg:$0x0] =	wrdreg $0xFFFFFFFF;
	(pc) =	sbr.abs _section_cstart, $3  }
0xc7: {  	[dreg:$0x1] =	wrdreg $0xFFFFFFFF  }
0xc8: {  	_ =	task.clear_ibuf [dreg:s8], $0x2FFFF;
	_ =	strace $0x9FFFFFFF  }
0xc9: {  	(tm) =	ssettm $0x7FFFFFFF  }
tec
execute0_lowered:
.L_overlay_start_1:
0x0: {  	(tag) =	ssettag $0x1  }
0x1: {  	s0 =	rddreg [dreg:$0x0]  }
0x2: {  	s2 =	rddreg [dreg:$0x1];
	s1 =	srdreg.scid  }
0x3: {  	s4 =	rddreg [dreg:$0x2];
	s7 =	stileid.u32  }
0x4: {  	s3 =	simm.s32 $0x0;
	s16 =	simm.s32 $0x80;
	s17 =	simm.s32 $0x400  }
0x5: {  	s29 =	simm.s32 $0x10A00;
	s30 =	simm.s32 $0x11200;
	s31 =	simm.s32 $0x11A00  }
0x6: {  	s18 =	simm.s32 $0x4;
	s14 =	simm.s32 $0x0;
	s1 =	sand.u32 $0x1, s1  }
0x7: {  	s6 =	sshrl.u32 s7, $0x3;
	s7 =	sand.u32 $0x7, s7;
	[smem:$0x7FF] =	sst s3  }
0x8: {  	s8 =	sadd.s32 $0x400, s2;
	s9 =	sadd.s32 $0x500, s2;
	s10 =	sadd.s32 $0x600, s2  }
0x9: {  	s11 =	sadd.s32 $0x700, s2;
	s5 =	sshll.u32 s1, $0x1;
	s20 =	sshll.u32 s7, $0x4  }
0xa: {  	_ =	strace $0x80000047;
	s1 =	ssub.s32 $0x2, s1;
	s5 =	sor.u32 s6, s5  }
0xb: {  	s7 =	sshll.u32 s7, $0xE;
	s21 =	sshrl.u32 s1, $0x1;
	s12 =	sshll.u32 s5, $0xC  }
0xc: {  	s5 =	sshll.u32 s5, $0x11;
	s1 =	ssub.s32 s1, s21;
	s21 =	simm.s32 $0x1100  }
0xd: {  	s6 =	sor.u32 s20, s12;
	s5 =	sor.u32 s7, s5;
	s7 =	sadd.s32 $0x300, s2  }
0xe: {  	s28 =	smax.u32 s1, $0x1;
	s20 =	simm.s32 $0x5;
	s13 =	sadd.s32 s6, s4  }
0xf: {  	s4 =	sadd.s32 s5, s4;
	s0 =	sadd.s32 s0, s6;
	[dreg:$0xa] =	wrdreg s28  }
0x10: {  	v1 =	vmov s12;
	s12 =	simm.s32 $0x1;
	[dreg:$0x4] =	wrdreg s0;
	s22 =	sadd.s32 $0x5200, s4  }
0x11: {  	s1 =	simm.s32 $0x3;
	s23 =	sadd.s32 $0x6200, s4;
	[dreg:$0x5] =	wrdreg s22  }
0x12: {  	s5 =	sadd.s32 $0x100, s2;
	s24 =	sadd.s32 $0x7200, s4;
	[dreg:$0x6] =	wrdreg s23  }
0x13: {  	s6 =	sadd.s32 $0x200, s2;
	s25 =	sadd.s32 $0x1200, s13;
	[dreg:$0x7] =	wrdreg s24  }
0x14: {  	v0 =	vlaneseq.u32;
	v2 =	vimm.f32 $0.0e+00;
	v4 =	vimm.f32 $1.000000000e+00;
	s26 =	sadd.s32 $0x8200, s4;
	s0 =	simm.s32 $0xA200;
	[dreg:$0x8] =	wrdreg s25  }
0x15: {  	vm0 =	vmmov $0xffff;
	v3 =	vor.u32 $0x80000000, v0;
	v6 =	vshrl.u32 v0, $0x3;
	s13 =	simm.s32 $0x2;
	[dreg:$0x9] =	wrdreg s26;
	s22 =	simm.s32 $0x1180  }
0x16: {  	v5 =	vand.u32 $0x7, v0;
	v7 =	vor.u32 $0x8, v0;
	v6 =	vmul.u32 $0x8, v6;
	s23 =	simm.s32 $0x1200;
	s24 =	simm.s32 $0x1000;
	s25 =	simm.s32 $0x2200  }
.LBB2_1:
0x17: {  	s4 =	simm.s32 $0x40;
	s15 =	simm.s32 $0x0  }
.LBB2_2:
0x18: {  	p0 =	sne.s32 s4, $0x3FC0;
	[tilespmem:s15+$0x1200] =	vst v2;
	s15 =	smov.u32 s4;
	s4 =	sadd.s32 $0x40, s4  }
.Ltmp0:
0x19: {  	(pc) =	sbr.rel @p0 .LBB2_2-.Ltmp0, $2  }
0x1a: {  	_ =	sdelay $0x2  }
0x1b: {  	s15 =	sshra.s32 s15, $0x2  }
0x1c: {  	[tilespmem:s15+$0x1200] =	vst v2;
	s4 =	simm.s32 $0x0;
	s28 =	rddreg [dreg:$0x4]  }
0x1d: {  	[tilespmem:s4], [sflag:$0x5] =	stream.strided.gather [hbm4b:s28+s16], $0x1000, s17, s16, $0x38;
	[tilespmem:$0x12200] =	vst v63  }
0x1e: {  	_ =	swait.ge [sflag:s20], $0x1000  }
0x1f: {  	[sflag:s20] =	ssyncset.done $0x0  }
0x20: {  	[sflag:s20] =	ssyncadd.s32 $0xFFFFF000  }
0x21: {  	s19 =	simm.s32 $0x0;
	s26 =	simm.s32 $0x0;
	s16 =	simm.s32 $0x1;
	v8 =	vld [tilespmem:s4+$0x0]  }
.LBB2_4:
0x22: {  	p0 =	sne.s32 s16, $0xFF;
	_ =	sdelay $0x3  }
0x23: {  	(xrf0) =	vmax.scan.msk.f32 $0xffff, v8;
	_ =	sdelay $0x3  }
0x24: {  	v8 =	vmov s19;
	s19 =	smov.u32 s16;
	_ =	sdelay $0x1  }
.Ltmp1:
0x25: {  	v9, _, _ =	vpop (xrf0);
	(pc) =	sbr.rel @p0 .LBB2_4-.Ltmp1, $4  }
0x26: {  	v9 =	vbroadcast v9, $0xF  }
0x27: {  	s15 =	simm.s32 $0x1000  }
0x28: {  	s26 =	sadd.s32 $0x10, s26;
	[tilespmem:v8+s15+$0x0] =	vst.idx.msk $0x1, v9  }
0x29: {  	s16 =	sadd.s32 $0x1, s16;
	v8 =	vld [tilespmem:s26+$0x0]  }
0x2a: {  	_ =	sdelay $0x3  }
0x2b: {  	(xrf0) =	vmax.scan.msk.f32 $0xffff, v8;
	_ =	sdelay $0x3  }
0x2c: {  	v8 =	vmov s19;
	_ =	sdelay $0x1  }
0x2d: {  	v9, _, _ =	vpop (xrf0)  }
0x2e: {  	v9 =	vbroadcast v9, $0xF;
	_ =	sdelay $0x1  }
0x2f: {  	[tilespmem:v8+s15+$0x0] =	vst.idx.msk $0x1, v9  }
0x30: {  	s16 =	simm.s32 $0x1;
	v8 =	vld [tilespmem:s15+$0x0]  }
.LBB2_6:
0x31: {  	p0 =	sne.s32 s16, $0xF;
	_ =	sdelay $0x3  }
0x32: {  	(xrf0) =	vmax.scan.msk.f32 $0xffff, v8;
	_ =	sdelay $0x3  }
0x33: {  	v8 =	vmov s4;
	s4 =	smov.u32 s16;
	_ =	sdelay $0x1  }
.Ltmp2:
0x34: {  	v9, _, _ =	vpop (xrf0);
	(pc) =	sbr.rel @p0 .LBB2_6-.Ltmp2, $3  }
0x35: {  	v9 =	vbroadcast v9, $0xF;
	_ =	sdelay $0x1  }
0x36: {  	s15 =	sadd.s32 $0x10, s15;
	[tilespmem:v8+s21+$0x0] =	vst.idx.msk $0x1, v9  }
0x37: {  	s16 =	sadd.s32 $0x1, s16;
	v8 =	vld [tilespmem:s15+$0x0]  }
0x38: {  	_ =	sdelay $0x3  }
0x39: {  	(xrf0) =	vmax.scan.msk.f32 $0xffff, v8;
	_ =	sdelay $0x3  }
0x3a: {  	v8 =	vmov s4;
	_ =	sdelay $0x1  }
0x3b: {  	v9, _, _ =	vpop (xrf0)  }
0x3c: {  	v9 =	vbroadcast v9, $0xF;
	_ =	sdelay $0x1  }
0x3d: {  	[tilespmem:v8+s21+$0x0] =	vst.idx.msk $0x1, v9  }
0x3e: {  	v8 =	vld [tilespmem:$0x1100];
	_ =	sdelay $0x4  }
0x3f: {  	(xrf0) =	vmax.scan.msk.f32 $0xffff, v8;
	_ =	sdelay $0x5  }
0x40: {  	v9, _, _ =	vpop (xrf0)  }
0x41: {  	v9 =	vbroadcast v9, $0xF;
	_ =	sdelay $0x1  }
0x42: {  	vm1 =	veq.f32 v8, v9  }
0x43: {  	v8 =	vnsel vm1, $0x80000010, v3  }
0x44: {  	(xrf0) =	vmin.scan.msk.u32 $0xffff, v8;
	_ =	sdelay $0x5  }
0x45: {  	v8, _, _ =	vpop (xrf0)  }
0x46: {  	(v2sf) =	vpush v8, $0xF;
	_ =	sdelay $0xe  }
0x47: {  	s17 =	spop (v2sf)  }
0x48: {  	s15 =	sshll.u32 s17, $0x4  }
0x49: {  	v8 =	vld [tilespmem:s15+$0x1000];
	_ =	sdelay $0x4  }
0x4a: {  	vm1 =	veq.f32 v8, v9  }
0x4b: {  	v10 =	vnsel vm1, $0x80000010, v3  }
0x4c: {  	(xrf0) =	vmin.scan.msk.u32 $0xffff, v10;
	_ =	sdelay $0x5  }
0x4d: {  	v10, _, _ =	vpop (xrf0)  }
0x4e: {  	(v2sf) =	vpush v10, $0xF;
	_ =	sdelay $0xe  }
0x4f: {  	s16 =	spop (v2sf)  }
0x50: {  	s16 =	sxor.u32 $0x80000000, s16  }
0x51: {  	s15 =	sadd.s32 s16, s15  }
0x52: {  	s19 =	sshll.u32 s15, $0x4  }
0x53: {  	v10 =	vld [tilespmem:s19+$0x0];
	_ =	sdelay $0x4  }
0x54: {  	vm1 =	veq.f32 v10, v9  }
0x55: {  	v9 =	vnsel vm1, $0x80000010, v3  }
0x56: {  	(xrf0) =	vmin.scan.msk.u32 $0xffff, v9;
	_ =	sdelay $0x5  }
0x57: {  	v9, _, _ =	vpop (xrf0)  }
0x58: {  	(v2sf) =	vpush v9, $0xF;
	_ =	sdelay $0xe  }
0x59: {  	s26 =	spop (v2sf)  }
0x5a: {  	s26 =	sxor.u32 $0x80000000, s26  }
0x5b: {  	v9 =	vmov s26  }
0x5c: {  	vm1 =	veq.s32 v9, v0  }
0x5d: {  	v9 =	vsel vm1, $0xFF800000, v10  }
0x5e: {  	(xrf0) =	vmax.scan.msk.f32 $0xffff, v9;
	_ =	sdelay $0x5  }
0x5f: {  	s28 =	simm.s32 $0x0;
	v11 =	vmov s16;
	v10, _, _ =	vpop (xrf0)  }
0x60: {  	s26 =	sadd.s32 s26, s19;
	vm1 =	veq.s32 v11, v0;
	v11 =	vmov s28;
	v10 =	vbroadcast v10, $0xF  }
0x61: {  	v12 =	vmov s26  }
0x62: {  	v8 =	vsel vm1, v10, v8  }
0x63: {  	(xrf0) =	vmax.scan.msk.f32 $0xffff, v8;
	v8 =	vmov s15;
	_ =	sdelay $0x1  }
0x64: {  	[tilespmem:v11+s22+$0x0] =	vst.idx.msk $0x1, v12  }
0x65: {  	[tilespmem:v12+s23+$0x0] =	vst.idx.msk $0x1, v4  }
0x66: {  	s4 =	sxor.u32 $0x80000000, s17;
	[tilespmem:s19+$0x0] =	vst v9  }
0x67: {  	[tilespmem:v8+s24+$0x0] =	vst.idx.msk $0x1, v10;
	v8 =	vmov s4;
	_ =	sdelay $0x1  }
0x68: {  	v9, _, _ =	vpop (xrf0)  }
0x69: {  	s19 =	simm.s32 $0x1;
	v9 =	vbroadcast v9, $0xF  }
.LBB2_8:
0x6a: {  	_ = 	snop  }
0x6b: {  	p0 =	sne.s32 s19, $0xF;
	s15 =	smov.u32 s19;
	s19 =	sadd.s32 $0x1, s19;
	[tilespmem:v8+s21+$0x0] =	vst.idx.msk $0x1, v9  }
0x6c: {  	v8 =	vld [tilespmem:$0x1100];
	_ =	sdelay $0x4  }
0x6d: {  	(xrf0) =	vmax.scan.msk.f32 $0xffff, v8;
	_ =	sdelay $0x5  }
0x6e: {  	v9, _, _ =	vpop (xrf0)  }
0x6f: {  	v9 =	vbroadcast v9, $0xF;
	_ =	sdelay $0x1  }
0x70: {  	vm1 =	veq.f32 v8, v9  }
0x71: {  	v8 =	vnsel vm1, $0x80000010, v3  }
0x72: {  	(xrf0) =	vmin.scan.msk.u32 $0xffff, v8;
	_ =	sdelay $0x5  }
0x73: {  	v8, _, _ =	vpop (xrf0)  }
0x74: {  	(v2sf) =	vpush v8, $0xF;
	_ =	sdelay $0xe  }
0x75: {  	s16 =	spop (v2sf)  }
0x76: {  	s4 =	sxor.u32 $0x80000000, s16;
	s16 =	sshll.u32 s16, $0x4  }
0x77: {  	v8 =	vld [tilespmem:s16+$0x1000];
	_ =	sdelay $0x4  }
0x78: {  	vm1 =	veq.f32 v8, v9  }
0x79: {  	v10 =	vnsel vm1, $0x80000010, v3  }
0x7a: {  	(xrf0) =	vmin.scan.msk.u32 $0xffff, v10;
	_ =	sdelay $0x5  }
0x7b: {  	v10, _, _ =	vpop (xrf0)  }
0x7c: {  	(v2sf) =	vpush v10, $0xF;
	_ =	sdelay $0xe  }
0x7d: {  	s26 =	spop (v2sf)  }
0x7e: {  	s26 =	sxor.u32 $0x80000000, s26  }
0x7f: {  	s16 =	sadd.s32 s26, s16;
	v10 =	vmov s26  }
0x80: {  	s26 =	sshll.u32 s16, $0x4  }
0x81: {  	v11 =	vld [tilespmem:s26+$0x0];
	_ =	sdelay $0x4  }
0x82: {  	vm1 =	veq.f32 v11, v9  }
0x83: {  	v9 =	vnsel vm1, $0x80000010, v3  }
0x84: {  	(xrf0) =	vmin.scan.msk.u32 $0xffff, v9;
	_ =	sdelay $0x5  }
0x85: {  	v9, _, _ =	vpop (xrf0)  }
0x86: {  	(v2sf) =	vpush v9, $0xF;
	_ =	sdelay $0xe  }
0x87: {  	s17 =	spop (v2sf)  }
0x88: {  	s17 =	sxor.u32 $0x80000000, s17  }
0x89: {  	v9 =	vmov s15;
	s28 =	sadd.s32 s17, s26;
	v12 =	vmov s17  }
0x8a: {  	v13 =	vmov s28;
	vm1 =	veq.s32 v12, v0  }
0x8b: {  	v11 =	vsel vm1, $0xFF800000, v11  }
0x8c: {  	(xrf0) =	vmax.scan.msk.f32 $0xffff, v11;
	_ =	sdelay $0x1  }
0x8d: {  	[tilespmem:v9+s22+$0x0] =	vst.idx.msk $0x1, v13  }
0x8e: {  	[tilespmem:v13+s23+$0x0] =	vst.idx.msk $0x1, v4  }
0x8f: {  	v9 =	vmov s16;
	[tilespmem:s26+$0x0] =	vst v11;
	_ =	sdelay $0x1  }
0x90: {  	v11, _, _ =	vpop (xrf0)  }
0x91: {  	v11 =	vbroadcast v11, $0xF  }
0x92: {  	vm1 =	veq.s32 v10, v0  }
0x93: {  	[tilespmem:v9+s24+$0x0] =	vst.idx.msk $0x1, v11;
	v8 =	vsel vm1, v11, v8  }
0x94: {  	(xrf0) =	vmax.scan.msk.f32 $0xffff, v8;
	_ =	sdelay $0x2  }
.Ltmp3:
0x95: {  	(pc) =	sbr.rel @p0 .LBB2_8-.Ltmp3, $3  }
0x96: {  	v8 =	vmov s4;
	_ =	sdelay $0x1  }
0x97: {  	v9, _, _ =	vpop (xrf0)  }
0x98: {  	v9 =	vbroadcast v9, $0xF  }
0x99: {  	_ =	sdelay $0x3  }
0x9a: {  	[tilespmem:v8+s21+$0x0] =	vst.idx.msk $0x1, v9  }
0x9b: {  	v8 =	vld [tilespmem:$0x1180];
	_ =	sdelay $0x4  }
0x9c: {  	v9 =	vadd.s32 v1, v8  }
0x9d: {  	v9 =	vshll.u32 v9, $0x4  }
0x9e: {  	v8 =	vand.u32 $0x7, v8;
	v9 =	vand.u32 $0xFFFFFF80, v9  }
0x9f: {  	v8 =	vor.u32 v8, v9  }
0xa0: {  	v9 =	vperm.xlane v8, v5;
	_ =	sdelay $0x1  }
0xa1: {  	v9 =	vadd.s32 v6, v9;
	_ =	sdelay $0x4  }
0xa2: {  	[tilespmem:s25], [sflag:$0x1] =	stream.indirect_vreg.gather [hbm4b:s2+s3], $0x80, v9, vm0, $0xb8;
	[tilespmem:$0x12200] =	vst v63  }
0xa3: {  	s4 =	simm.s32 $0x2A00  }
0xa4: {  	[tilespmem:s4], [sflag:$0x1] =	stream.indirect_vreg.gather [hbm4b:s5+s3], $0x80, v9, vm0, $0xb8;
	[tilespmem:$0x12200] =	vst v63  }
0xa5: {  	s17 =	simm.s32 $0x3200  }
0xa6: {  	[tilespmem:s17], [sflag:$0x1] =	stream.indirect_vreg.gather [hbm4b:s6+s3], $0x80, v9, vm0, $0xb8;
	[tilespmem:$0x12200] =	vst v63  }
0xa7: {  	s19 =	simm.s32 $0x3A00  }
0xa8: {  	[tilespmem:s19], [sflag:$0x1] =	stream.indirect_vreg.gather [hbm4b:s7+s3], $0x80, v9, vm0, $0xb8;
	[tilespmem:$0x12200] =	vst v63  }
0xa9: {  	s26 =	simm.s32 $0x4200  }
0xaa: {  	[tilespmem:s26], [sflag:$0x1] =	stream.indirect_vreg.gather [hbm4b:s8+s3], $0x80, v9, vm0, $0xb8;
	[tilespmem:$0x12200] =	vst v63  }
0xab: {  	s28 =	simm.s32 $0x4A00;
	v8 =	vperm.xlane v8, v7  }
0xac: {  	[tilespmem:s28], [sflag:$0x1] =	stream.indirect_vreg.gather [hbm4b:s9+s3], $0x80, v9, vm0, $0xb8;
	[tilespmem:$0x12200] =	vst v63  }
0xad: {  	s15 =	simm.s32 $0x5200;
	v8 =	vadd.s32 v6, v8  }
0xae: {  	[tilespmem:s15], [sflag:$0x1] =	stream.indirect_vreg.gather [hbm4b:s10+s3], $0x80, v9, vm0, $0xb8;
	[tilespmem:$0x12200] =	vst v63  }
0xaf: {  	s16 =	simm.s32 $0x5A00  }
0xb0: {  	[tilespmem:s16], [sflag:$0x1] =	stream.indirect_vreg.gather [hbm4b:s11+s3], $0x80, v9, vm0, $0xb8;
	[tilespmem:$0x12200] =	vst v63  }
0xb1: {  	s17 =	simm.s32 $0x6200  }
0xb2: {  	[tilespmem:s17], [sflag:$0x1] =	stream.indirect_vreg.gather [hbm4b:s2+s3], $0x80, v8, vm0, $0xb8;
	[tilespmem:$0x12200] =	vst v63  }
0xb3: {  	s19 =	simm.s32 $0x6A00  }
0xb4: {  	[tilespmem:s19], [sflag:$0x1] =	stream.indirect_vreg.gather [hbm4b:s5+s3], $0x80, v8, vm0, $0xb8;
	[tilespmem:$0x12200] =	vst v63  }
0xb5: {  	s26 =	simm.s32 $0x7200  }
0xb6: {  	[tilespmem:s26], [sflag:$0x1] =	stream.indirect_vreg.gather [hbm4b:s6+s3], $0x80, v8, vm0, $0xb8;
	[tilespmem:$0x12200] =	vst v63  }
0xb7: {  	s28 =	simm.s32 $0x7A00  }
0xb8: {  	[tilespmem:s28], [sflag:$0x1] =	stream.indirect_vreg.gather [hbm4b:s7+s3], $0x80, v8, vm0, $0xb8;
	[tilespmem:$0x12200] =	vst v63  }
0xb9: {  	s15 =	simm.s32 $0x8200  }
0xba: {  	[tilespmem:s15], [sflag:$0x1] =	stream.indirect_vreg.gather [hbm4b:s8+s3], $0x80, v8, vm0, $0xb8;
	[tilespmem:$0x12200] =	vst v63  }
0xbb: {  	s16 =	simm.s32 $0x8A00  }
0xbc: {  	[tilespmem:s16], [sflag:$0x1] =	stream.indirect_vreg.gather [hbm4b:s9+s3], $0x80, v8, vm0, $0xb8;
	[tilespmem:$0x12200] =	vst v63  }
0xbd: {  	s17 =	simm.s32 $0x9200  }
0xbe: {  	[tilespmem:s17], [sflag:$0x1] =	stream.indirect_vreg.gather [hbm4b:s10+s3], $0x80, v8, vm0, $0xb8;
	[tilespmem:$0x12200] =	vst v63  }
0xbf: {  	s19 =	simm.s32 $0x9A00  }
0xc0: {  	[tilespmem:s19], [sflag:$0x1] =	stream.indirect_vreg.gather [hbm4b:s11+s3], $0x80, v8, vm0, $0xb8;
	[tilespmem:$0x12200] =	vst v63  }
0xc1: {  	v8 =	vld [tilespmem:$0x1100];
	_ =	sdelay $0x4  }
0xc2: {  	(xrf0) =	vmax.scan.msk.f32 $0xffff, v8;
	_ =	sdelay $0x5  }
0xc3: {  	v9, _, _ =	vpop (xrf0)  }
0xc4: {  	v9 =	vbroadcast v9, $0xF;
	_ =	sdelay $0x1  }
0xc5: {  	vm1 =	veq.f32 v8, v9  }
0xc6: {  	v8 =	vnsel vm1, $0x80000010, v3  }
0xc7: {  	(xrf0) =	vmin.scan.msk.u32 $0xffff, v8;
	_ =	sdelay $0x5  }
0xc8: {  	v8, _, _ =	vpop (xrf0)  }
0xc9: {  	(v2sf) =	vpush v8, $0xF;
	_ =	sdelay $0xe  }
0xca: {  	s4 =	spop (v2sf)  }
0xcb: {  	s15 =	sshll.u32 s4, $0x4  }
0xcc: {  	v8 =	vld [tilespmem:s15+$0x1000];
	_ =	sdelay $0x4  }
0xcd: {  	vm1 =	veq.f32 v8, v9  }
0xce: {  	v10 =	vnsel vm1, $0x80000010, v3  }
0xcf: {  	(xrf0) =	vmin.scan.msk.u32 $0xffff, v10;
	_ =	sdelay $0x5  }
0xd0: {  	v10, _, _ =	vpop (xrf0)  }
0xd1: {  	(v2sf) =	vpush v10, $0xF;
	_ =	sdelay $0xe  }
0xd2: {  	s16 =	spop (v2sf)  }
0xd3: {  	s16 =	sxor.u32 $0x80000000, s16  }
0xd4: {  	s15 =	sadd.s32 s16, s15  }
0xd5: {  	s17 =	sshll.u32 s15, $0x4  }
0xd6: {  	v10 =	vld [tilespmem:s17+$0x0];
	_ =	sdelay $0x4  }
0xd7: {  	vm1 =	veq.f32 v10, v9  }
0xd8: {  	v9 =	vnsel vm1, $0x80000010, v3  }
0xd9: {  	(xrf0) =	vmin.scan.msk.u32 $0xffff, v9;
	_ =	sdelay $0x5  }
0xda: {  	v9, _, _ =	vpop (xrf0)  }
0xdb: {  	(v2sf) =	vpush v9, $0xF;
	_ =	sdelay $0xe  }
0xdc: {  	s19 =	spop (v2sf)  }
0xdd: {  	s19 =	sxor.u32 $0x80000000, s19  }
0xde: {  	v9 =	vmov s19  }
0xdf: {  	vm1 =	veq.s32 v9, v0  }
0xe0: {  	v9 =	vsel vm1, $0xFF800000, v10  }
0xe1: {  	(xrf0) =	vmax.scan.msk.f32 $0xffff, v9;
	_ =	sdelay $0x5  }
0xe2: {  	v10, _, _ =	vpop (xrf0)  }
0xe3: {  	v11 =	vmov s16;
	v10 =	vbroadcast v10, $0xF  }
0xe4: {  	s26 =	simm.s32 $0x10;
	vm1 =	veq.s32 v11, v0  }
0xe5: {  	s28 =	sadd.s32 s19, s17;
	v11 =	vmov s26;
	v8 =	vsel vm1, v10, v8  }
0xe6: {  	v12 =	vmov s28;
	(xrf0) =	vmax.scan.msk.f32 $0xffff, v8;
	_ =	sdelay $0x1  }
0xe7: {  	v13 =	vmov s15  }
0xe8: {  	s4 =	sxor.u32 $0x80000000, s4  }
0xe9: {  	[tilespmem:v11+s22+$0x0] =	vst.idx.msk $0x1, v12;
	v8 =	vmov s4  }
0xea: {  	[tilespmem:v12+s23+$0x0] =	vst.idx.msk $0x1, v4  }
0xeb: {  	[tilespmem:s17+$0x0] =	vst v9;
	v9, _, _ =	vpop (xrf0)  }
0xec: {  	s19 =	simm.s32 $0x11;
	[tilespmem:v13+s24+$0x0] =	vst.idx.msk $0x1, v10;
	v9 =	vbroadcast v9, $0xF  }
.LBB2_10:
0xed: {  	_ = 	snop  }
0xee: {  	p0 =	sne.s32 s19, $0x1F;
	s15 =	smov.u32 s19;
	s19 =	sadd.s32 $0x1, s19;
	[tilespmem:v8+s21+$0x0] =	vst.idx.msk $0x1, v9  }
0xef: {  	v8 =	vld [tilespmem:$0x1100];
	_ =	sdelay $0x4  }
0xf0: {  	(xrf0) =	vmax.scan.msk.f32 $0xffff, v8;
	_ =	sdelay $0x5  }
0xf1: {  	v9, _, _ =	vpop (xrf0)  }
0xf2: {  	v9 =	vbroadcast v9, $0xF;
	_ =	sdelay $0x1  }
0xf3: {  	vm1 =	veq.f32 v8, v9  }
0xf4: {  	v8 =	vnsel vm1, $0x80000010, v3  }
0xf5: {  	(xrf0) =	vmin.scan.msk.u32 $0xffff, v8;
	_ =	sdelay $0x5  }
0xf6: {  	v8, _, _ =	vpop (xrf0)  }
0xf7: {  	(v2sf) =	vpush v8, $0xF;
	_ =	sdelay $0xe  }
0xf8: {  	s16 =	spop (v2sf)  }
0xf9: {  	s4 =	sxor.u32 $0x80000000, s16;
	s16 =	sshll.u32 s16, $0x4  }
0xfa: {  	v8 =	vld [tilespmem:s16+$0x1000];
	_ =	sdelay $0x4  }
0xfb: {  	vm1 =	veq.f32 v8, v9  }
0xfc: {  	v10 =	vnsel vm1, $0x80000010, v3  }
0xfd: {  	(xrf0) =	vmin.scan.msk.u32 $0xffff, v10;
	_ =	sdelay $0x5  }
0xfe: {  	v10, _, _ =	vpop (xrf0)  }
0xff: {  	(v2sf) =	vpush v10, $0xF;
	_ =	sdelay $0xe  }
0x100: {  	s17 =	spop (v2sf)  }
0x101: {  	s17 =	sxor.u32 $0x80000000, s17  }
0x102: {  	s16 =	sadd.s32 s17, s16;
	v10 =	vmov s17  }
0x103: {  	s17 =	sshll.u32 s16, $0x4  }
0x104: {  	v11 =	vld [tilespmem:s17+$0x0];
	_ =	sdelay $0x4  }
0x105: {  	vm1 =	veq.f32 v11, v9  }
0x106: {  	v9 =	vnsel vm1, $0x80000010, v3  }
0x107: {  	(xrf0) =	vmin.scan.msk.u32 $0xffff, v9;
	_ =	sdelay $0x5  }
0x108: {  	v9, _, _ =	vpop (xrf0)  }
0x109: {  	(v2sf) =	vpush v9, $0xF;
	_ =	sdelay $0xe  }
0x10a: {  	s26 =	spop (v2sf)  }
0x10b: {  	s26 =	sxor.u32 $0x80000000, s26  }
0x10c: {  	v9 =	vmov s15;
	s28 =	sadd.s32 s26, s17;
	v12 =	vmov s26  }
0x10d: {  	v13 =	vmov s28;
	vm1 =	veq.s32 v12, v0  }
0x10e: {  	v11 =	vsel vm1, $0xFF800000, v11  }
0x10f: {  	(xrf0) =	vmax.scan.msk.f32 $0xffff, v11;
	_ =	sdelay $0x1  }
0x110: {  	[tilespmem:v9+s22+$0x0] =	vst.idx.msk $0x1, v13  }
0x111: {  	[tilespmem:v13+s23+$0x0] =	vst.idx.msk $0x1, v4  }
0x112: {  	v9 =	vmov s16;
	[tilespmem:s17+$0x0] =	vst v11;
	_ =	sdelay $0x1  }
0x113: {  	v11, _, _ =	vpop (xrf0)  }
0x114: {  	v11 =	vbroadcast v11, $0xF  }
0x115: {  	vm1 =	veq.s32 v10, v0  }
0x116: {  	[tilespmem:v9+s24+$0x0] =	vst.idx.msk $0x1, v11;
	v8 =	vsel vm1, v11, v8  }
0x117: {  	(xrf0) =	vmax.scan.msk.f32 $0xffff, v8;
	_ =	sdelay $0x2  }
.Ltmp4:
0x118: {  	(pc) =	sbr.rel @p0 .LBB2_10-.Ltmp4, $3  }
0x119: {  	v8 =	vmov s4;
	_ =	sdelay $0x1  }
0x11a: {  	v9, _, _ =	vpop (xrf0)  }
0x11b: {  	v9 =	vbroadcast v9, $0xF  }
0x11c: {  	_ =	sdelay $0x3  }
0x11d: {  	[tilespmem:v8+s21+$0x0] =	vst.idx.msk $0x1, v9  }
0x11e: {  	v8 =	vld [tilespmem:$0x1190];
	_ =	sdelay $0x4  }
0x11f: {  	v9 =	vadd.s32 v1, v8  }
0x120: {  	v9 =	vshll.u32 v9, $0x4  }
0x121: {  	v8 =	vand.u32 $0x7, v8;
	v9 =	vand.u32 $0xFFFFFF80, v9  }
0x122: {  	v8 =	vor.u32 v8, v9  }
0x123: {  	v9 =	vperm.xlane v8, v5;
	_ =	sdelay $0x1  }
0x124: {  	v9 =	vadd.s32 v6, v9;
	_ =	sdelay $0x4  }
0x125: {  	[tilespmem:s0], [sflag:$0x2] =	stream.indirect_vreg.gather [hbm4b:s2+s3], $0x80, v9, vm0, $0xb8;
	[tilespmem:$0x12200] =	vst v63  }
0x126: {  	s4 =	simm.s32 $0xAA00  }
0x127: {  	[tilespmem:s4], [sflag:$0x2] =	stream.indirect_vreg.gather [hbm4b:s5+s3], $0x80, v9, vm0, $0xb8;
	[tilespmem:$0x12200] =	vst v63  }
0x128: {  	s26 =	simm.s32 $0xB200  }
0x129: {  	[tilespmem:s26], [sflag:$0x2] =	stream.indirect_vreg.gather [hbm4b:s6+s3], $0x80, v9, vm0, $0xb8;
	[tilespmem:$0x12200] =	vst v63  }
0x12a: {  	s28 =	simm.s32 $0xBA00  }
0x12b: {  	[tilespmem:s28], [sflag:$0x2] =	stream.indirect_vreg.gather [hbm4b:s7+s3], $0x80, v9, vm0, $0xb8;
	[tilespmem:$0x12200] =	vst v63  }
0x12c: {  	s15 =	simm.s32 $0xC200  }
0x12d: {  	[tilespmem:s15], [sflag:$0x2] =	stream.indirect_vreg.gather [hbm4b:s8+s3], $0x80, v9, vm0, $0xb8;
	[tilespmem:$0x12200] =	vst v63  }
0x12e: {  	s16 =	simm.s32 $0xCA00;
	v8 =	vperm.xlane v8, v7  }
0x12f: {  	[tilespmem:s16], [sflag:$0x2] =	stream.indirect_vreg.gather [hbm4b:s9+s3], $0x80, v9, vm0, $0xb8;
	[tilespmem:$0x12200] =	vst v63  }
0x130: {  	s17 =	simm.s32 $0xD200;
	v8 =	vadd.s32 v6, v8  }
0x131: {  	[tilespmem:s17], [sflag:$0x2] =	stream.indirect_vreg.gather [hbm4b:s10+s3], $0x80, v9, vm0, $0xb8;
	[tilespmem:$0x12200] =	vst v63  }
0x132: {  	s19 =	simm.s32 $0xDA00  }
0x133: {  	[tilespmem:s19], [sflag:$0x2] =	stream.indirect_vreg.gather [hbm4b:s11+s3], $0x80, v9, vm0, $0xb8;
	[tilespmem:$0x12200] =	vst v63  }
0x134: {  	s26 =	simm.s32 $0xE200  }
0x135: {  	[tilespmem:s26], [sflag:$0x2] =	stream.indirect_vreg.gather [hbm4b:s2+s3], $0x80, v8, vm0, $0xb8;
	[tilespmem:$0x12200] =	vst v63  }
0x136: {  	s28 =	simm.s32 $0xEA00  }
0x137: {  	[tilespmem:s28], [sflag:$0x2] =	stream.indirect_vreg.gather [hbm4b:s5+s3], $0x80, v8, vm0, $0xb8;
	[tilespmem:$0x12200] =	vst v63  }
0x138: {  	s15 =	simm.s32 $0xF200  }
0x139: {  	[tilespmem:s15], [sflag:$0x2] =	stream.indirect_vreg.gather [hbm4b:s6+s3], $0x80, v8, vm0, $0xb8;
	[tilespmem:$0x12200] =	vst v63  }
0x13a: {  	s16 =	simm.s32 $0xFA00  }
0x13b: {  	[tilespmem:s16], [sflag:$0x2] =	stream.indirect_vreg.gather [hbm4b:s7+s3], $0x80, v8, vm0, $0xb8;
	[tilespmem:$0x12200] =	vst v63  }
0x13c: {  	s17 =	simm.s32 $0x10200  }
0x13d: {  	[tilespmem:s17], [sflag:$0x2] =	stream.indirect_vreg.gather [hbm4b:s8+s3], $0x80, v8, vm0, $0xb8;
	[tilespmem:$0x12200] =	vst v63  }
0x13e: {  	_ = 	snop  }
0x13f: {  	[tilespmem:s29], [sflag:$0x2] =	stream.indirect_vreg.gather [hbm4b:s9+s3], $0x80, v8, vm0, $0xb8;
	[tilespmem:$0x12200] =	vst v63  }
0x140: {  	_ = 	snop  }
0x141: {  	[tilespmem:s30], [sflag:$0x2] =	stream.indirect_vreg.gather [hbm4b:s10+s3], $0x80, v8, vm0, $0xb8;
	[tilespmem:$0x12200] =	vst v63  }
0x142: {  	_ = 	snop  }
0x143: {  	[tilespmem:s31], [sflag:$0x2] =	stream.indirect_vreg.gather [hbm4b:s11+s3], $0x80, v8, vm0, $0xb8;
	[tilespmem:$0x12200] =	vst v63  }
0x144: {  	_ =	swait.ge [sflag:s12], $0x8000  }
0x145: {  	[sflag:s12] =	ssyncset.done $0x0  }
0x146: {  	s19 =	rddreg [dreg:$0x5];
	[sflag:s12] =	ssyncadd.s32 $0xFFFF8000  }
0x147: {  	[hbm4b:s19+s3] =	stream.linear.scatter [tilespmem:s25], [sflag:$0x3], $0x8000, $0x38;
	[tilespmem:$0x12200] =	vst v63  }
0x148: {  	v8 =	vld [tilespmem:$0x1100];
	_ =	sdelay $0x4  }
0x149: {  	(xrf0) =	vmax.scan.msk.f32 $0xffff, v8;
	_ =	sdelay $0x5  }
0x14a: {  	v9, _, _ =	vpop (xrf0)  }
0x14b: {  	v9 =	vbroadcast v9, $0xF;
	_ =	sdelay $0x1  }
0x14c: {  	vm1 =	veq.f32 v8, v9  }
0x14d: {  	v8 =	vnsel vm1, $0x80000010, v3  }
0x14e: {  	(xrf0) =	vmin.scan.msk.u32 $0xffff, v8;
	_ =	sdelay $0x5  }
0x14f: {  	v8, _, _ =	vpop (xrf0)  }
0x150: {  	(v2sf) =	vpush v8, $0xF;
	_ =	sdelay $0xe  }
0x151: {  	s4 =	spop (v2sf)  }
0x152: {  	s15 =	sshll.u32 s4, $0x4  }
0x153: {  	v8 =	vld [tilespmem:s15+$0x1000];
	_ =	sdelay $0x4  }
0x154: {  	vm1 =	veq.f32 v8, v9  }
0x155: {  	v10 =	vnsel vm1, $0x80000010, v3  }
0x156: {  	(xrf0) =	vmin.scan.msk.u32 $0xffff, v10;
	_ =	sdelay $0x5  }
0x157: {  	v10, _, _ =	vpop (xrf0)  }
0x158: {  	(v2sf) =	vpush v10, $0xF;
	_ =	sdelay $0xe  }
0x159: {  	s16 =	spop (v2sf)  }
0x15a: {  	s16 =	sxor.u32 $0x80000000, s16  }
0x15b: {  	s15 =	sadd.s32 s16, s15  }
0x15c: {  	s17 =	sshll.u32 s15, $0x4  }
0x15d: {  	v10 =	vld [tilespmem:s17+$0x0];
	_ =	sdelay $0x4  }
0x15e: {  	vm1 =	veq.f32 v10, v9  }
0x15f: {  	v9 =	vnsel vm1, $0x80000010, v3  }
0x160: {  	(xrf0) =	vmin.scan.msk.u32 $0xffff, v9;
	_ =	sdelay $0x5  }
0x161: {  	v9, _, _ =	vpop (xrf0)  }
0x162: {  	(v2sf) =	vpush v9, $0xF;
	_ =	sdelay $0xe  }
0x163: {  	s19 =	spop (v2sf)  }
0x164: {  	s19 =	sxor.u32 $0x80000000, s19  }
0x165: {  	v9 =	vmov s19  }
0x166: {  	vm1 =	veq.s32 v9, v0  }
0x167: {  	v9 =	vsel vm1, $0xFF800000, v10  }
0x168: {  	(xrf0) =	vmax.scan.msk.f32 $0xffff, v9;
	_ =	sdelay $0x5  }
0x169: {  	v10, _, _ =	vpop (xrf0)  }
0x16a: {  	v11 =	vmov s16;
	v10 =	vbroadcast v10, $0xF  }
0x16b: {  	s26 =	simm.s32 $0x20;
	vm1 =	veq.s32 v11, v0  }
0x16c: {  	s28 =	sadd.s32 s19, s17;
	v11 =	vmov s26;
	v8 =	vsel vm1, v10, v8  }
0x16d: {  	v12 =	vmov s28;
	(xrf0) =	vmax.scan.msk.f32 $0xffff, v8;
	_ =	sdelay $0x1  }
0x16e: {  	v13 =	vmov s15  }
0x16f: {  	s4 =	sxor.u32 $0x80000000, s4  }
0x170: {  	[tilespmem:v11+s22+$0x0] =	vst.idx.msk $0x1, v12;
	v8 =	vmov s4  }
0x171: {  	[tilespmem:v12+s23+$0x0] =	vst.idx.msk $0x1, v4  }
0x172: {  	[tilespmem:s17+$0x0] =	vst v9;
	v9, _, _ =	vpop (xrf0)  }
0x173: {  	s19 =	simm.s32 $0x21;
	[tilespmem:v13+s24+$0x0] =	vst.idx.msk $0x1, v10;
	v9 =	vbroadcast v9, $0xF  }
.LBB2_12:
0x174: {  	_ = 	snop  }
0x175: {  	p0 =	sne.s32 s19, $0x2F;
	s15 =	smov.u32 s19;
	s19 =	sadd.s32 $0x1, s19;
	[tilespmem:v8+s21+$0x0] =	vst.idx.msk $0x1, v9  }
0x176: {  	v8 =	vld [tilespmem:$0x1100];
	_ =	sdelay $0x4  }
0x177: {  	(xrf0) =	vmax.scan.msk.f32 $0xffff, v8;
	_ =	sdelay $0x5  }
0x178: {  	v9, _, _ =	vpop (xrf0)  }
0x179: {  	v9 =	vbroadcast v9, $0xF;
	_ =	sdelay $0x1  }
0x17a: {  	vm1 =	veq.f32 v8, v9  }
0x17b: {  	v8 =	vnsel vm1, $0x80000010, v3  }
0x17c: {  	(xrf0) =	vmin.scan.msk.u32 $0xffff, v8;
	_ =	sdelay $0x5  }
0x17d: {  	v8, _, _ =	vpop (xrf0)  }
0x17e: {  	(v2sf) =	vpush v8, $0xF;
	_ =	sdelay $0xe  }
0x17f: {  	s16 =	spop (v2sf)  }
0x180: {  	s4 =	sxor.u32 $0x80000000, s16;
	s16 =	sshll.u32 s16, $0x4  }
0x181: {  	v8 =	vld [tilespmem:s16+$0x1000];
	_ =	sdelay $0x4  }
0x182: {  	vm1 =	veq.f32 v8, v9  }
0x183: {  	v10 =	vnsel vm1, $0x80000010, v3  }
0x184: {  	(xrf0) =	vmin.scan.msk.u32 $0xffff, v10;
	_ =	sdelay $0x5  }
0x185: {  	v10, _, _ =	vpop (xrf0)  }
0x186: {  	(v2sf) =	vpush v10, $0xF;
	_ =	sdelay $0xe  }
0x187: {  	s17 =	spop (v2sf)  }
0x188: {  	s17 =	sxor.u32 $0x80000000, s17  }
0x189: {  	s16 =	sadd.s32 s17, s16;
	v10 =	vmov s17  }
0x18a: {  	s17 =	sshll.u32 s16, $0x4  }
0x18b: {  	v11 =	vld [tilespmem:s17+$0x0];
	_ =	sdelay $0x4  }
0x18c: {  	vm1 =	veq.f32 v11, v9  }
0x18d: {  	v9 =	vnsel vm1, $0x80000010, v3  }
0x18e: {  	(xrf0) =	vmin.scan.msk.u32 $0xffff, v9;
	_ =	sdelay $0x5  }
0x18f: {  	v9, _, _ =	vpop (xrf0)  }
0x190: {  	(v2sf) =	vpush v9, $0xF;
	_ =	sdelay $0xe  }
0x191: {  	s26 =	spop (v2sf)  }
0x192: {  	s26 =	sxor.u32 $0x80000000, s26  }
0x193: {  	v9 =	vmov s15;
	s28 =	sadd.s32 s26, s17;
	v12 =	vmov s26  }
0x194: {  	v13 =	vmov s28;
	vm1 =	veq.s32 v12, v0  }
0x195: {  	v11 =	vsel vm1, $0xFF800000, v11  }
0x196: {  	(xrf0) =	vmax.scan.msk.f32 $0xffff, v11;
	_ =	sdelay $0x1  }
0x197: {  	[tilespmem:v9+s22+$0x0] =	vst.idx.msk $0x1, v13  }
0x198: {  	[tilespmem:v13+s23+$0x0] =	vst.idx.msk $0x1, v4  }
0x199: {  	v9 =	vmov s16;
	[tilespmem:s17+$0x0] =	vst v11;
	_ =	sdelay $0x1  }
0x19a: {  	v11, _, _ =	vpop (xrf0)  }
0x19b: {  	v11 =	vbroadcast v11, $0xF  }
0x19c: {  	vm1 =	veq.s32 v10, v0  }
0x19d: {  	[tilespmem:v9+s24+$0x0] =	vst.idx.msk $0x1, v11;
	v8 =	vsel vm1, v11, v8  }
0x19e: {  	(xrf0) =	vmax.scan.msk.f32 $0xffff, v8;
	_ =	sdelay $0x2  }
.Ltmp5:
0x19f: {  	(pc) =	sbr.rel @p0 .LBB2_12-.Ltmp5, $3  }
0x1a0: {  	v8 =	vmov s4;
	_ =	sdelay $0x1  }
0x1a1: {  	v9, _, _ =	vpop (xrf0)  }
0x1a2: {  	v9 =	vbroadcast v9, $0xF  }
0x1a3: {  	_ =	sdelay $0x3  }
0x1a4: {  	[tilespmem:v8+s21+$0x0] =	vst.idx.msk $0x1, v9  }
0x1a5: {  	_ =	swait.ge [sflag:s1], $0x8000  }
0x1a6: {  	[sflag:s1] =	ssyncset.done $0x0  }
0x1a7: {  	[sflag:s1] =	ssyncadd.s32 $0xFFFF8000  }
0x1a8: {  	v8 =	vld [tilespmem:$0x11A0];
	_ =	sdelay $0x4  }
0x1a9: {  	v9 =	vadd.s32 v1, v8  }
0x1aa: {  	v9 =	vshll.u32 v9, $0x4  }
0x1ab: {  	v8 =	vand.u32 $0x7, v8;
	v9 =	vand.u32 $0xFFFFFF80, v9  }
0x1ac: {  	v8 =	vor.u32 v8, v9  }
0x1ad: {  	v9 =	vperm.xlane v8, v5;
	_ =	sdelay $0x1  }
0x1ae: {  	v9 =	vadd.s32 v6, v9;
	_ =	sdelay $0x4  }
0x1af: {  	[tilespmem:s25], [sflag:$0x1] =	stream.indirect_vreg.gather [hbm4b:s2+s3], $0x80, v9, vm0, $0xb8;
	[tilespmem:$0x12200] =	vst v63  }
0x1b0: {  	s4 =	simm.s32 $0x2A00  }
0x1b1: {  	[tilespmem:s4], [sflag:$0x1] =	stream.indirect_vreg.gather [hbm4b:s5+s3], $0x80, v9, vm0, $0xb8;
	[tilespmem:$0x12200] =	vst v63  }
0x1b2: {  	s16 =	simm.s32 $0x3200  }
0x1b3: {  	[tilespmem:s16], [sflag:$0x1] =	stream.indirect_vreg.gather [hbm4b:s6+s3], $0x80, v9, vm0, $0xb8;
	[tilespmem:$0x12200] =	vst v63  }
0x1b4: {  	s17 =	simm.s32 $0x3A00  }
0x1b5: {  	[tilespmem:s17], [sflag:$0x1] =	stream.indirect_vreg.gather [hbm4b:s7+s3], $0x80, v9, vm0, $0xb8;
	[tilespmem:$0x12200] =	vst v63  }
0x1b6: {  	s19 =	simm.s32 $0x4200  }
0x1b7: {  	[tilespmem:s19], [sflag:$0x1] =	stream.indirect_vreg.gather [hbm4b:s8+s3], $0x80, v9, vm0, $0xb8;
	[tilespmem:$0x12200] =	vst v63  }
0x1b8: {  	s26 =	simm.s32 $0x4A00;
	v8 =	vperm.xlane v8, v7  }
0x1b9: {  	[tilespmem:s26], [sflag:$0x1] =	stream.indirect_vreg.gather [hbm4b:s9+s3], $0x80, v9, vm0, $0xb8;
	[tilespmem:$0x12200] =	vst v63  }
0x1ba: {  	s28 =	simm.s32 $0x5200;
	v8 =	vadd.s32 v6, v8  }
0x1bb: {  	[tilespmem:s28], [sflag:$0x1] =	stream.indirect_vreg.gather [hbm4b:s10+s3], $0x80, v9, vm0, $0xb8;
	[tilespmem:$0x12200] =	vst v63  }
0x1bc: {  	s15 =	simm.s32 $0x5A00  }
0x1bd: {  	[tilespmem:s15], [sflag:$0x1] =	stream.indirect_vreg.gather [hbm4b:s11+s3], $0x80, v9, vm0, $0xb8;
	[tilespmem:$0x12200] =	vst v63  }
0x1be: {  	s16 =	simm.s32 $0x6200  }
0x1bf: {  	[tilespmem:s16], [sflag:$0x1] =	stream.indirect_vreg.gather [hbm4b:s2+s3], $0x80, v8, vm0, $0xb8;
	[tilespmem:$0x12200] =	vst v63  }
0x1c0: {  	s17 =	simm.s32 $0x6A00  }
0x1c1: {  	[tilespmem:s17], [sflag:$0x1] =	stream.indirect_vreg.gather [hbm4b:s5+s3], $0x80, v8, vm0, $0xb8;
	[tilespmem:$0x12200] =	vst v63  }
0x1c2: {  	s19 =	simm.s32 $0x7200  }
0x1c3: {  	[tilespmem:s19], [sflag:$0x1] =	stream.indirect_vreg.gather [hbm4b:s6+s3], $0x80, v8, vm0, $0xb8;
	[tilespmem:$0x12200] =	vst v63  }
0x1c4: {  	s26 =	simm.s32 $0x7A00  }
0x1c5: {  	[tilespmem:s26], [sflag:$0x1] =	stream.indirect_vreg.gather [hbm4b:s7+s3], $0x80, v8, vm0, $0xb8;
	[tilespmem:$0x12200] =	vst v63  }
0x1c6: {  	s28 =	simm.s32 $0x8200  }
0x1c7: {  	[tilespmem:s28], [sflag:$0x1] =	stream.indirect_vreg.gather [hbm4b:s8+s3], $0x80, v8, vm0, $0xb8;
	[tilespmem:$0x12200] =	vst v63  }
0x1c8: {  	s15 =	simm.s32 $0x8A00  }
0x1c9: {  	[tilespmem:s15], [sflag:$0x1] =	stream.indirect_vreg.gather [hbm4b:s9+s3], $0x80, v8, vm0, $0xb8;
	[tilespmem:$0x12200] =	vst v63  }
0x1ca: {  	s16 =	simm.s32 $0x9200  }
0x1cb: {  	[tilespmem:s16], [sflag:$0x1] =	stream.indirect_vreg.gather [hbm4b:s10+s3], $0x80, v8, vm0, $0xb8;
	[tilespmem:$0x12200] =	vst v63  }
0x1cc: {  	s17 =	simm.s32 $0x9A00  }
0x1cd: {  	[tilespmem:s17], [sflag:$0x1] =	stream.indirect_vreg.gather [hbm4b:s11+s3], $0x80, v8, vm0, $0xb8;
	[tilespmem:$0x12200] =	vst v63  }
0x1ce: {  	_ =	swait.ge [sflag:s13], $0x8000  }
0x1cf: {  	[sflag:s13] =	ssyncset.done $0x0  }
0x1d0: {  	s19 =	rddreg [dreg:$0x6];
	[sflag:s13] =	ssyncadd.s32 $0xFFFF8000  }
0x1d1: {  	[hbm4b:s19+s3] =	stream.linear.scatter [tilespmem:s0], [sflag:$0x4], $0x8000, $0x38;
	[tilespmem:$0x12200] =	vst v63  }
0x1d2: {  	v8 =	vld [tilespmem:$0x1100];
	_ =	sdelay $0x4  }
0x1d3: {  	(xrf0) =	vmax.scan.msk.f32 $0xffff, v8;
	_ =	sdelay $0x5  }
0x1d4: {  	v9, _, _ =	vpop (xrf0)  }
0x1d5: {  	v9 =	vbroadcast v9, $0xF;
	_ =	sdelay $0x1  }
0x1d6: {  	vm1 =	veq.f32 v8, v9  }
0x1d7: {  	v8 =	vnsel vm1, $0x80000010, v3  }
0x1d8: {  	(xrf0) =	vmin.scan.msk.u32 $0xffff, v8;
	_ =	sdelay $0x5  }
0x1d9: {  	v8, _, _ =	vpop (xrf0)  }
0x1da: {  	(v2sf) =	vpush v8, $0xF;
	_ =	sdelay $0xe  }
0x1db: {  	s4 =	spop (v2sf)  }
0x1dc: {  	s15 =	sshll.u32 s4, $0x4  }
0x1dd: {  	v8 =	vld [tilespmem:s15+$0x1000];
	_ =	sdelay $0x4  }
0x1de: {  	vm1 =	veq.f32 v8, v9  }
0x1df: {  	v10 =	vnsel vm1, $0x80000010, v3  }
0x1e0: {  	(xrf0) =	vmin.scan.msk.u32 $0xffff, v10;
	_ =	sdelay $0x5  }
0x1e1: {  	v10, _, _ =	vpop (xrf0)  }
0x1e2: {  	(v2sf) =	vpush v10, $0xF;
	_ =	sdelay $0xe  }
0x1e3: {  	s16 =	spop (v2sf)  }
0x1e4: {  	s16 =	sxor.u32 $0x80000000, s16  }
0x1e5: {  	s15 =	sadd.s32 s16, s15  }
0x1e6: {  	s17 =	sshll.u32 s15, $0x4  }
0x1e7: {  	v10 =	vld [tilespmem:s17+$0x0];
	_ =	sdelay $0x4  }
0x1e8: {  	vm1 =	veq.f32 v10, v9  }
0x1e9: {  	v9 =	vnsel vm1, $0x80000010, v3  }
0x1ea: {  	(xrf0) =	vmin.scan.msk.u32 $0xffff, v9;
	_ =	sdelay $0x5  }
0x1eb: {  	v9, _, _ =	vpop (xrf0)  }
0x1ec: {  	(v2sf) =	vpush v9, $0xF;
	_ =	sdelay $0xe  }
0x1ed: {  	s19 =	spop (v2sf)  }
0x1ee: {  	s19 =	sxor.u32 $0x80000000, s19  }
0x1ef: {  	v9 =	vmov s19  }
0x1f0: {  	vm1 =	veq.s32 v9, v0  }
0x1f1: {  	v9 =	vsel vm1, $0xFF800000, v10  }
0x1f2: {  	(xrf0) =	vmax.scan.msk.f32 $0xffff, v9;
	_ =	sdelay $0x5  }
0x1f3: {  	v10, _, _ =	vpop (xrf0)  }
0x1f4: {  	v11 =	vmov s16;
	v10 =	vbroadcast v10, $0xF  }
0x1f5: {  	s26 =	simm.s32 $0x30;
	vm1 =	veq.s32 v11, v0  }
0x1f6: {  	s28 =	sadd.s32 s19, s17;
	v11 =	vmov s26;
	v8 =	vsel vm1, v10, v8  }
0x1f7: {  	v12 =	vmov s28;
	(xrf0) =	vmax.scan.msk.f32 $0xffff, v8;
	_ =	sdelay $0x1  }
0x1f8: {  	v13 =	vmov s15  }
0x1f9: {  	s4 =	sxor.u32 $0x80000000, s4  }
0x1fa: {  	[tilespmem:v11+s22+$0x0] =	vst.idx.msk $0x1, v12;
	v8 =	vmov s4  }
0x1fb: {  	[tilespmem:v12+s23+$0x0] =	vst.idx.msk $0x1, v4  }
0x1fc: {  	[tilespmem:s17+$0x0] =	vst v9;
	v9, _, _ =	vpop (xrf0)  }
0x1fd: {  	s19 =	simm.s32 $0x31;
	[tilespmem:v13+s24+$0x0] =	vst.idx.msk $0x1, v10;
	v9 =	vbroadcast v9, $0xF  }
.LBB2_14:
0x1fe: {  	_ = 	snop  }
0x1ff: {  	p0 =	sne.s32 s19, $0x3F;
	s15 =	smov.u32 s19;
	s19 =	sadd.s32 $0x1, s19;
	[tilespmem:v8+s21+$0x0] =	vst.idx.msk $0x1, v9  }
0x200: {  	v8 =	vld [tilespmem:$0x1100];
	_ =	sdelay $0x4  }
0x201: {  	(xrf0) =	vmax.scan.msk.f32 $0xffff, v8;
	_ =	sdelay $0x5  }
0x202: {  	v9, _, _ =	vpop (xrf0)  }
0x203: {  	v9 =	vbroadcast v9, $0xF;
	_ =	sdelay $0x1  }
0x204: {  	vm1 =	veq.f32 v8, v9  }
0x205: {  	v8 =	vnsel vm1, $0x80000010, v3  }
0x206: {  	(xrf0) =	vmin.scan.msk.u32 $0xffff, v8;
	_ =	sdelay $0x5  }
0x207: {  	v8, _, _ =	vpop (xrf0)  }
0x208: {  	(v2sf) =	vpush v8, $0xF;
	_ =	sdelay $0xe  }
0x209: {  	s16 =	spop (v2sf)  }
0x20a: {  	s4 =	sxor.u32 $0x80000000, s16;
	s16 =	sshll.u32 s16, $0x4  }
0x20b: {  	v8 =	vld [tilespmem:s16+$0x1000];
	_ =	sdelay $0x4  }
0x20c: {  	vm1 =	veq.f32 v8, v9  }
0x20d: {  	v10 =	vnsel vm1, $0x80000010, v3  }
0x20e: {  	(xrf0) =	vmin.scan.msk.u32 $0xffff, v10;
	_ =	sdelay $0x5  }
0x20f: {  	v10, _, _ =	vpop (xrf0)  }
0x210: {  	(v2sf) =	vpush v10, $0xF;
	_ =	sdelay $0xe  }
0x211: {  	s17 =	spop (v2sf)  }
0x212: {  	s17 =	sxor.u32 $0x80000000, s17  }
0x213: {  	s16 =	sadd.s32 s17, s16;
	v10 =	vmov s17  }
0x214: {  	s17 =	sshll.u32 s16, $0x4  }
0x215: {  	v11 =	vld [tilespmem:s17+$0x0];
	_ =	sdelay $0x4  }
0x216: {  	vm1 =	veq.f32 v11, v9  }
0x217: {  	v9 =	vnsel vm1, $0x80000010, v3  }
0x218: {  	(xrf0) =	vmin.scan.msk.u32 $0xffff, v9;
	_ =	sdelay $0x5  }
0x219: {  	v9, _, _ =	vpop (xrf0)  }
0x21a: {  	(v2sf) =	vpush v9, $0xF;
	_ =	sdelay $0xe  }
0x21b: {  	s26 =	spop (v2sf)  }
0x21c: {  	s26 =	sxor.u32 $0x80000000, s26  }
0x21d: {  	v9 =	vmov s15;
	s28 =	sadd.s32 s26, s17;
	v12 =	vmov s26  }
0x21e: {  	v13 =	vmov s28;
	vm1 =	veq.s32 v12, v0  }
0x21f: {  	v11 =	vsel vm1, $0xFF800000, v11  }
0x220: {  	(xrf0) =	vmax.scan.msk.f32 $0xffff, v11;
	_ =	sdelay $0x1  }
0x221: {  	[tilespmem:v9+s22+$0x0] =	vst.idx.msk $0x1, v13  }
0x222: {  	[tilespmem:v13+s23+$0x0] =	vst.idx.msk $0x1, v4  }
0x223: {  	v9 =	vmov s16;
	[tilespmem:s17+$0x0] =	vst v11;
	_ =	sdelay $0x1  }
0x224: {  	v11, _, _ =	vpop (xrf0)  }
0x225: {  	v11 =	vbroadcast v11, $0xF  }
0x226: {  	vm1 =	veq.s32 v10, v0  }
0x227: {  	[tilespmem:v9+s24+$0x0] =	vst.idx.msk $0x1, v11;
	v8 =	vsel vm1, v11, v8  }
0x228: {  	(xrf0) =	vmax.scan.msk.f32 $0xffff, v8;
	_ =	sdelay $0x2  }
.Ltmp6:
0x229: {  	(pc) =	sbr.rel @p0 .LBB2_14-.Ltmp6, $3  }
0x22a: {  	v8 =	vmov s4;
	_ =	sdelay $0x1  }
0x22b: {  	v9, _, _ =	vpop (xrf0)  }
0x22c: {  	v9 =	vbroadcast v9, $0xF  }
0x22d: {  	_ =	sdelay $0x3  }
0x22e: {  	[tilespmem:v8+s21+$0x0] =	vst.idx.msk $0x1, v9  }
0x22f: {  	_ =	swait.ge [sflag:s18], $0x8000  }
0x230: {  	[sflag:s18] =	ssyncset.done $0x0  }
0x231: {  	[sflag:s18] =	ssyncadd.s32 $0xFFFF8000  }
0x232: {  	v8 =	vld [tilespmem:$0x11B0];
	_ =	sdelay $0x4  }
0x233: {  	v63 =	vadd.s32 v1, v8  }
0x234: {  	v9 =	vshll.u32 v63, $0x4  }
0x235: {  	v8 =	vand.u32 $0x7, v8;
	v9 =	vand.u32 $0xFFFFFF80, v9  }
0x236: {  	v8 =	vor.u32 v8, v9  }
0x237: {  	v9 =	vperm.xlane v8, v5;
	_ =	sdelay $0x1  }
0x238: {  	v9 =	vadd.s32 v6, v9;
	_ =	sdelay $0x4  }
0x239: {  	[tilespmem:s0], [sflag:$0x2] =	stream.indirect_vreg.gather [hbm4b:s2+s3], $0x80, v9, vm0, $0xb8;
	[tilespmem:$0x12200] =	vst v63  }
0x23a: {  	s4 =	simm.s32 $0xAA00  }
0x23b: {  	[tilespmem:s4], [sflag:$0x2] =	stream.indirect_vreg.gather [hbm4b:s5+s3], $0x80, v9, vm0, $0xb8;
	[tilespmem:$0x12200] =	vst v63  }
0x23c: {  	s19 =	simm.s32 $0xB200  }
0x23d: {  	[tilespmem:s19], [sflag:$0x2] =	stream.indirect_vreg.gather [hbm4b:s6+s3], $0x80, v9, vm0, $0xb8;
	[tilespmem:$0x12200] =	vst v63  }
0x23e: {  	s26 =	simm.s32 $0xBA00  }
0x23f: {  	[tilespmem:s26], [sflag:$0x2] =	stream.indirect_vreg.gather [hbm4b:s7+s3], $0x80, v9, vm0, $0xb8;
	[tilespmem:$0x12200] =	vst v63  }
0x240: {  	s28 =	simm.s32 $0xC200  }
0x241: {  	[tilespmem:s28], [sflag:$0x2] =	stream.indirect_vreg.gather [hbm4b:s8+s3], $0x80, v9, vm0, $0xb8;
	[tilespmem:$0x12200] =	vst v63  }
0x242: {  	s15 =	simm.s32 $0xCA00;
	v8 =	vperm.xlane v8, v7  }
0x243: {  	[tilespmem:s15], [sflag:$0x2] =	stream.indirect_vreg.gather [hbm4b:s9+s3], $0x80, v9, vm0, $0xb8;
	[tilespmem:$0x12200] =	vst v63  }
0x244: {  	s16 =	simm.s32 $0xD200;
	v8 =	vadd.s32 v6, v8  }
0x245: {  	[tilespmem:s16], [sflag:$0x2] =	stream.indirect_vreg.gather [hbm4b:s10+s3], $0x80, v9, vm0, $0xb8;
	[tilespmem:$0x12200] =	vst v63  }
0x246: {  	s17 =	simm.s32 $0xDA00  }
0x247: {  	[tilespmem:s17], [sflag:$0x2] =	stream.indirect_vreg.gather [hbm4b:s11+s3], $0x80, v9, vm0, $0xb8;
	[tilespmem:$0x12200] =	vst v63  }
0x248: {  	s19 =	simm.s32 $0xE200  }
0x249: {  	[tilespmem:s19], [sflag:$0x2] =	stream.indirect_vreg.gather [hbm4b:s2+s3], $0x80, v8, vm0, $0xb8;
	[tilespmem:$0x12200] =	vst v63  }
0x24a: {  	s26 =	simm.s32 $0xEA00  }
0x24b: {  	[tilespmem:s26], [sflag:$0x2] =	stream.indirect_vreg.gather [hbm4b:s5+s3], $0x80, v8, vm0, $0xb8;
	[tilespmem:$0x12200] =	vst v63  }
0x24c: {  	s28 =	simm.s32 $0xF200  }
0x24d: {  	[tilespmem:s28], [sflag:$0x2] =	stream.indirect_vreg.gather [hbm4b:s6+s3], $0x80, v8, vm0, $0xb8;
	[tilespmem:$0x12200] =	vst v63  }
0x24e: {  	s15 =	simm.s32 $0xFA00  }
0x24f: {  	[tilespmem:s15], [sflag:$0x2] =	stream.indirect_vreg.gather [hbm4b:s7+s3], $0x80, v8, vm0, $0xb8;
	[tilespmem:$0x12200] =	vst v63  }
0x250: {  	s16 =	simm.s32 $0x10200  }
0x251: {  	[tilespmem:s16], [sflag:$0x2] =	stream.indirect_vreg.gather [hbm4b:s8+s3], $0x80, v8, vm0, $0xb8;
	[tilespmem:$0x12200] =	vst v63  }
0x252: {  	_ = 	snop  }
0x253: {  	[tilespmem:s29], [sflag:$0x2] =	stream.indirect_vreg.gather [hbm4b:s9+s3], $0x80, v8, vm0, $0xb8;
	[tilespmem:$0x12200] =	vst v63  }
0x254: {  	_ = 	snop  }
0x255: {  	[tilespmem:s30], [sflag:$0x2] =	stream.indirect_vreg.gather [hbm4b:s10+s3], $0x80, v8, vm0, $0xb8;
	[tilespmem:$0x12200] =	vst v63  }
0x256: {  	_ = 	snop  }
0x257: {  	[tilespmem:s31], [sflag:$0x2] =	stream.indirect_vreg.gather [hbm4b:s11+s3], $0x80, v8, vm0, $0xb8;
	[tilespmem:$0x12200] =	vst v63  }
0x258: {  	_ =	swait.ge [sflag:s12], $0x8000  }
0x259: {  	[sflag:s12] =	ssyncset.done $0x0  }
0x25a: {  	s17 =	rddreg [dreg:$0x7];
	[sflag:s12] =	ssyncadd.s32 $0xFFFF8000  }
0x25b: {  	[hbm4b:s17+s3] =	stream.linear.scatter [tilespmem:s25], [sflag:$0x3], $0x8000, $0x38;
	[tilespmem:$0x12200] =	vst v63  }
0x25c: {  	s16 =	simm.s32 $0x80;
	s19 =	rddreg [dreg:$0x8];
	s17 =	simm.s32 $0x400  }
0x25d: {  	[hbm4b:s19+s16] =	stream.strided.scatter [tilespmem:s23], [sflag:$0x5], $0x1000, s17, s16, $0x38;
	[tilespmem:$0x12200] =	vst v63  }
0x25e: {  	_ =	swait.ge [sflag:s20], $0x1000  }
0x25f: {  	[sflag:s20] =	ssyncset.done $0x0  }
0x260: {  	[sflag:s20] =	ssyncadd.s32 $0xFFFFF000  }
0x261: {  	_ =	swait.ge [sflag:s13], $0x8000  }
0x262: {  	[sflag:s13] =	ssyncset.done $0x0  }
0x263: {  	s26 =	rddreg [dreg:$0x9];
	[sflag:s13] =	ssyncadd.s32 $0xFFFF8000  }
0x264: {  	[hbm4b:s26+s3] =	stream.linear.scatter [tilespmem:s0], [sflag:$0x4], $0x8000, $0x38;
	[tilespmem:$0x12200] =	vst v63  }
0x265: {  	_ =	swait.ge [sflag:s1], $0x8000  }
0x266: {  	[sflag:s1] =	ssyncset.done $0x0  }
0x267: {  	[sflag:s1] =	ssyncadd.s32 $0xFFFF8000  }
0x268: {  	_ =	swait.ge [sflag:s18], $0x8000  }
0x269: {  	s14 =	sadd.s32 $0x1, s14;
	s28 =	rddreg [dreg:$0xa]  }
0x26a: {  	p0 =	sne.s32 s14, s28  }
.Ltmp7:
0x26b: {  	_ = 	snop;
	(pc) =	sbr.rel @p0 .LBB2_1-.Ltmp7, $3  }
0x26c: {  	_ =	sdelay $0x1  }
0x26d: {  	[sflag:s18] =	ssyncset.done $0x0  }
0x26e: {  	[sflag:s18] =	ssyncadd.s32 $0xFFFF8000  }
0x26f: {  	_ =	sfence.sel $0x180000  }
0x270: {  	[bflag:$0x0] =	sbarrier.arrive $0xFFFF  }
0x271: {  	_ =	strace $0x90000047  }
0x272: {  	s0 =	stileid.u32;
	[bflag:$0x2] =	sbarrier.arrive $0xFFFF  }
0x273: {  	p0 =	sne.s32 s0, $0x0;
	s0 =	rddreg [dreg:$0x3]  }
0x274: {  	s0 =	sadd.s32 @!p0 $0x100000, s0  }
0x275: {  	[sflag:s0] =	ssyncadd.tile.s32 @!p0 $0x1;
	_ =	shalt  }
.Lfunc_end2:
_tile_overlayer_lowered:
.L_overlay_start_2:
0x276: {  	(tag) =	ssettag $0x2  }
0x277: {  	s0 =	rddreg [dreg:$0x0];
	s2 =	stileid.u32  }
0x278: {  	s1 =	rddreg [dreg:$0x1];
	p0 =	sne.s32 s2, $0x0  }
0x279: {  	s3 =	rddreg [dreg:$0x2];
	[bflag:$0x3] =	sbarrier.arrive $0xFFFF;
	s2 =	simm.s32 @!p0 $0x1C05  }
0x27a: {  	[timem:s3], [sflag:s2] =	dma.local @!p0 [hbm:s0], s1  }
0x27b: {  	s0 =	simm.s32 @!p0 $0x5  }
0x27c: {  	_ =	swait.ge @!p0 [sflag:s0], s1  }
0x27d: {  	s1 =	ssub.s32 @!p0 $0x0, s1;
	[sflag:s0] =	ssyncset.done @!p0 $0x0  }
0x27e: {  	[sflag:s0] =	ssyncadd.s32 @!p0 s1  }
0x27f: {  	[bflag:$0x3] =	sbarrier.arrive $0xFFFF  }
0x280: {  	_ =	shalt  }

</sc_bundles>
